<compile_context>
chip_gen: v7x
topology: tpu7x:2x2x1
jax: 0.10.2.dev20260603
libtpu: 0.0.44.dev20260713+nightly
codegen_flags: <defaults>
</compile_context>

<pallas_src>
import functools

import jax
import jax.numpy as jnp
from jax import lax
from jax.experimental import pallas as pl
from jax.experimental.pallas import tpu as pltpu
from jax.experimental.pallas import tpu_sc as plsc

DIM = 64
MAX_LEN = 8192
BATCH = 16384
NUM_CORES = 2
NUM_SUBCORES = 16
NUM_WORKERS = NUM_CORES * NUM_SUBCORES
TILE_ROWS = DIM // 8
N_PAIRS = 4
TAB_CTILES = MAX_LEN // 128
OUT_CTILES_TOTAL = BATCH // 128


def _gather_body(pos_hbm, pe4_hbm, out4_hbm, idx_v, tab_v, out_v, idx_sh, sem):
    sid = lax.axis_index("s")
    wid = sid * NUM_CORES + lax.axis_index("c")
    k = wid // N_PAIRS
    p = wid % N_PAIRS
    cp_tab = pltpu.async_copy(
        pe4_hbm.at[k, :, pl.ds(2 * p, 2), :], tab_v, sem
    )
    @pl.when(sid == 0)
    def _():
        pltpu.sync_copy(pos_hbm, idx_sh)

    plsc.subcore_barrier()
    cp_idx = pltpu.async_copy(idx_sh, idx_v, sem)
    cp_tab.wait()
    cp_idx.wait()

    half = OUT_CTILES_TOTAL // 2
    out_cps = []
    for h in range(2):

        @plsc.parallel_loop(h * half, (h + 1) * half, 1, unroll=2)
        def ctile(ct):
            ibase = ct * 128
            for s4 in range(2):
                vs = []
                for s in range(4 * s4, 4 * s4 + 4):
                    pvec = idx_v[pl.ds(ibase + s * 16, 16)]
                    hi = lax.shift_right_logical(pvec, 7)
                    lane = lax.bitwise_and(pvec, jnp.int32(127))
                    for j in range(2):
                        jvec = jnp.full((16,), j, jnp.int32)
                        vs.append(
                            (s, j, plsc.load_gather(tab_v, [hi, jvec, lane]))
                        )
                for s, j, v in vs:
                    out_v[ct, j, pl.ds(s * 16, 16)] = v

        out_cps.append(
            pltpu.async_copy(
                out_v.at[pl.ds(h * half, half)],
                out4_hbm.at[k, pl.ds(h * half, half), pl.ds(2 * p, 2), :],
                sem,
            )
        )
    for cp in out_cps:
        cp.wait()


@jax.jit
def kernel(positions, pe):
    pe4 = pe.T.reshape(TILE_ROWS, 8, TAB_CTILES, 128).transpose(0, 2, 1, 3)
    mesh = plsc.VectorSubcoreMesh(core_axis_name="c", subcore_axis_name="s")
    run = functools.partial(
        pl.kernel,
        mesh=mesh,
        out_type=jax.ShapeDtypeStruct(
            (TILE_ROWS, OUT_CTILES_TOTAL, 8, 128), jnp.float32
        ),
        scratch_types=[
            pltpu.VMEM((BATCH,), jnp.int32),
            pltpu.VMEM((TAB_CTILES, 2, 128), jnp.float32),
            pltpu.VMEM((OUT_CTILES_TOTAL, 2, 128), jnp.float32),
            pltpu.VMEM_SHARED((BATCH,), jnp.int32),
            pltpu.SemaphoreType.DMA,
        ],
        compiler_params=pltpu.CompilerParams(
            use_tc_tiling_on_sc=False, needs_layout_passes=False
        ),
    )(_gather_body)
    out4 = run(positions.astype(jnp.int32), pe4)
    return out4.transpose(0, 2, 1, 3).reshape(DIM, BATCH).T

# --- scband reference (transcript-rebuilt; emitter-appended) ---
"""Pipeline reference for scband-sinusoidal-positional-encoding-14396730376429 (READ-ONLY COPY).

The authoritative reference and input builder live on the scoring server;
editing this copy changes nothing except your own understanding.
"""

import jax, jax.numpy as jnp
import numpy as np
import math

DIM = 64
MAX_LEN = 8192
BATCH = 16384

def _build_pe(max_len, dim):
    position = jnp.arange(max_len, dtype=jnp.float32)[:, None]
    div_term = jnp.exp(jnp.arange(0, dim, 2, dtype=jnp.float32) * (-math.log(10000.0) / dim))
    angles = position * div_term  # [max_len, dim//2]
    pe = jnp.zeros((max_len, dim), dtype=jnp.float32)
    pe = pe.at[:, 0::2].set(jnp.sin(angles))
    pe = pe.at[:, 1::2].set(jnp.cos(angles))
    return pe

def setup_inputs(seed: int = 0) -> dict:
    key = jax.random.key(seed)
    positions = jax.random.randint(key, (BATCH,), 0, MAX_LEN, dtype=jnp.int64 if jax.config.read('jax_enable_x64') else jnp.int32)
    pe = _build_pe(MAX_LEN, DIM)
    return {"positions": positions, "pe": pe}

def reference(positions, pe):
    # Faithful translation of self.pe[positions] -> gather rows
    return jnp.take(pe, positions, axis=0)

if __name__ == "__main__":
    import jax
    _d = setup_inputs()
    print(jax.jit(kernel)(*tuple(_d.values())))

</pallas_src>

<mosaic_0001>
#map = affine_map<(d0, d1) -> (0)>
#map1 = affine_map<(d0, d1) -> (0, 0, 0, 0)>
module attributes {stable_mosaic.version = 14 : i64} {
  func.func @_gather_body(%arg0: i32, %arg1: i32, %arg2: memref<16384xi32, #tpu.memory_space<hbm>>, %arg3: memref<8x64x8x128xf32, #tpu.memory_space<hbm>>, %arg4: memref<8x128x8x128xf32, #tpu.memory_space<hbm>>, %arg5: memref<16384xi32, #tpu.memory_space<vmem>>, %arg6: memref<64x2x128xf32, #tpu.memory_space<vmem>>, %arg7: memref<128x2x128xf32, #tpu.memory_space<vmem>>, %arg8: memref<16384xi32, #tpu.memory_space<vmem_shared>>, %arg9: memref<!tpu.dma_semaphore, #tpu.memory_space<semaphore_mem>>) attributes {dimension_semantics = [#tpu.dimension_semantics<core_parallel>, #tpu.dimension_semantics<subcore_parallel>], iteration_bounds = array<i64: 2, 16>, scalar_prefetch = 0 : i64, scratch_operands = 5 : i64, tpu.core_type = #tpu.core_type<sc_vector_subcore>, window_params = [{transform_indices = #map}, {transform_indices = #map1}, {transform_indices = #map1}]} {
    %mul3A = arith.constant 2 : i32
    %mul3A_0 = arith.muli %arg1, %mul3A : i32
    %add3A = arith.addi %mul3A_0, %arg0 : i32
    %jit3A = arith.constant 4 : i32
    %div3A = arith.divsi %add3A, %jit3A : i32
    %sign3A = arith.constant 0 : i32
    %sign3A_1 = arith.cmpi sgt, %add3A, %sign3A : i32
    %sign3A_2 = arith.extui %sign3A_1 : i1 to i32
    %sign3A_3 = arith.constant 0 : i32
    %sign3A_4 = arith.cmpi slt, %add3A, %sign3A_3 : i32
    %sign3A_5 = arith.extui %sign3A_4 : i1 to i32
    %sign3A_6 = arith.subi %sign3A_2, %sign3A_5 : i32
    %sign3A_7 = arith.constant 0 : i32
    %sign3A_8 = arith.cmpi sgt, %jit3A, %sign3A_7 : i32
    %sign3A_9 = arith.extui %sign3A_8 : i1 to i32
    %sign3A_10 = arith.constant 0 : i32
    %sign3A_11 = arith.cmpi slt, %jit3A, %sign3A_10 : i32
    %sign3A_12 = arith.extui %sign3A_11 : i1 to i32
    %sign3A_13 = arith.subi %sign3A_9, %sign3A_12 : i32
    %ne3A = arith.cmpi ne, %sign3A_6, %sign3A_13 : i32
    %rem3A = arith.remsi %add3A, %jit3A : i32
    %ne3A_14 = arith.constant 0 : i32
    %ne3A_15 = arith.cmpi ne, %rem3A, %ne3A_14 : i32
    %and3A = arith.andi %ne3A, %ne3A_15 : i1
    %sub3A = arith.constant 1 : i32
    %sub3A_16 = arith.subi %div3A, %sub3A : i32
    %select_n3A = arith.select %and3A, %sub3A_16, %div3A : i32
    %jit3A_17 = arith.constant 4 : i32
    %eq3A = arith.constant 0 : i32
    %eq3A_18 = arith.cmpi eq, %jit3A_17, %eq3A : i32
    %jit3A_19 = arith.constant 1 : i32
    %select_n3A_20 = arith.select %eq3A_18, %jit3A_19, %jit3A_17 : i32
    %rem3A_21 = arith.remsi %add3A, %select_n3A_20 : i32
    %ne3A_22 = arith.constant 0 : i32
    %ne3A_23 = arith.cmpi ne, %rem3A_21, %ne3A_22 : i32
    %lt3A = arith.constant 0 : i32
    %lt3A_24 = arith.cmpi slt, %rem3A_21, %lt3A : i32
    %lt3A_25 = arith.constant 0 : i32
    %lt3A_26 = arith.cmpi slt, %select_n3A_20, %lt3A_25 : i32
    %ne3A_27 = arith.xori %lt3A_24, %lt3A_26 : i1
    %and3A_28 = arith.andi %ne3A_27, %ne3A_23 : i1
    %add3A_29 = arith.addi %rem3A_21, %select_n3A_20 : i32
    %select_n3A_30 = arith.select %and3A_28, %add3A_29, %rem3A_21 : i32
    %mul3A_31 = arith.constant 2 : i32
    %mul3A_32 = arith.muli %mul3A_31, %select_n3A_30 : i32
    %dma_start3A = arith.constant 0 : i32
    %dma_start3A_33 = arith.constant 0 : i32
    %dma_start3A_34 = tpu.memref_slice %arg3[%select_n3A, %dma_start3A, %mul3A_32, %dma_start3A_33] : memref<8x64x8x128xf32, #tpu.memory_space<hbm>> -> memref<1x64x2x128xf32, #tpu.memory_space<hbm>>
    %dma_start3A_35 = tpu.memref_squeeze %dma_start3A_34 : memref<1x64x2x128xf32, #tpu.memory_space<hbm>> -> memref<64x2x128xf32, #tpu.memory_space<hbm>>
    %dma_start3A_36 = arith.constant 0 : i32
    %dma_start3A_37 = arith.constant 0 : i32
    %dma_start3A_38 = tpu.memref_slice %arg3[%select_n3A, %dma_start3A_36, %mul3A_32, %dma_start3A_37] : memref<8x64x8x128xf32, #tpu.memory_space<hbm>> -> memref<1x64x2x128xf32, #tpu.memory_space<hbm>>
    %dma_start3A_39 = tpu.memref_squeeze %dma_start3A_38 : memref<1x64x2x128xf32, #tpu.memory_space<hbm>> -> memref<64x2x128xf32, #tpu.memory_space<hbm>>
    tpu.enqueue_dma source(%dma_start3A_39 : memref<64x2x128xf32, #tpu.memory_space<hbm>>) target(%arg6 : memref<64x2x128xf32, #tpu.memory_space<vmem>>) target_semaphore(%arg9 : memref<!tpu.dma_semaphore, #tpu.memory_space<semaphore_mem>>)
    %eq3A_40 = arith.constant 0 : i32
    %eq3A_41 = arith.cmpi eq, %arg1, %eq3A_40 : i32
    %convert_element_type3A = arith.extui %eq3A_41 : i1 to i32
    %cond3A = arith.constant 0 : i32
    %cond3A_42 = arith.cmpi ne, %convert_element_type3A, %cond3A : i32
    scf.if %cond3A_42 {
      "tpu.region"() ({
        %run_scoped3A = tpu.sem_alloc : memref<!tpu.dma_semaphore, #tpu.memory_space<semaphore_mem>>
        tpu.enqueue_dma source(%arg2 : memref<16384xi32, #tpu.memory_space<hbm>>) target(%arg8 : memref<16384xi32, #tpu.memory_space<vmem_shared>>) target_semaphore(%run_scoped3A : memref<!tpu.dma_semaphore, #tpu.memory_space<semaphore_mem>>)
        tpu.wait_dma2 semaphore(%run_scoped3A : memref<!tpu.dma_semaphore, #tpu.memory_space<semaphore_mem>>) src(%arg2 : memref<16384xi32, #tpu.memory_space<hbm>>) dst(%arg8 : memref<16384xi32, #tpu.memory_space<vmem_shared>>)
        tpu.yield
      }) : () -> ()
    } else {
    }
    %barrier3A = arith.constant 0 : index
    tpu.barrier barrier_id(%barrier3A)
    tpu.enqueue_dma source(%arg8 : memref<16384xi32, #tpu.memory_space<vmem_shared>>) target(%arg5 : memref<16384xi32, #tpu.memory_space<vmem>>) target_semaphore(%arg9 : memref<!tpu.dma_semaphore, #tpu.memory_space<semaphore_mem>>)
    %dma_wait3A = arith.constant 0 : i32
    %dma_wait3A_43 = arith.constant 0 : i32
    %dma_wait3A_44 = tpu.memref_slice %arg3[%select_n3A, %dma_wait3A, %mul3A_32, %dma_wait3A_43] : memref<8x64x8x128xf32, #tpu.memory_space<hbm>> -> memref<1x64x2x128xf32, #tpu.memory_space<hbm>>
    %dma_wait3A_45 = tpu.memref_squeeze %dma_wait3A_44 : memref<1x64x2x128xf32, #tpu.memory_space<hbm>> -> memref<64x2x128xf32, #tpu.memory_space<hbm>>
    %dma_wait3A_46 = arith.constant 0 : i32
    %dma_wait3A_47 = arith.constant 0 : i32
    %dma_wait3A_48 = tpu.memref_slice %arg3[%select_n3A, %dma_wait3A_46, %mul3A_32, %dma_wait3A_47] : memref<8x64x8x128xf32, #tpu.memory_space<hbm>> -> memref<1x64x2x128xf32, #tpu.memory_space<hbm>>
    %dma_wait3A_49 = tpu.memref_squeeze %dma_wait3A_48 : memref<1x64x2x128xf32, #tpu.memory_space<hbm>> -> memref<64x2x128xf32, #tpu.memory_space<hbm>>
    tpu.wait_dma2 semaphore(%arg9 : memref<!tpu.dma_semaphore, #tpu.memory_space<semaphore_mem>>) src(%dma_wait3A_49 : memref<64x2x128xf32, #tpu.memory_space<hbm>>) dst(%arg6 : memref<64x2x128xf32, #tpu.memory_space<vmem>>)
    tpu.wait_dma2 semaphore(%arg9 : memref<!tpu.dma_semaphore, #tpu.memory_space<semaphore_mem>>) src(%arg8 : memref<16384xi32, #tpu.memory_space<vmem_shared>>) dst(%arg5 : memref<16384xi32, #tpu.memory_space<vmem>>)
    %parallel_loop3A = arith.constant 0 : i32
    %parallel_loop3A_50 = arith.constant 64 : i32
    %parallel_loop3A_51 = arith.constant 1 : i32
    scf.for %parallel_loop3A_123 = %parallel_loop3A to %parallel_loop3A_50 step %parallel_loop3A_51  : i32 {
      %parallel_loop3A_124 = arith.constant 128 : i32
      %parallel_loop3A_125 = arith.muli %parallel_loop3A_123, %parallel_loop3A_124 : i32
      %parallel_loop3A_126 = arith.constant 0 : i32
      %parallel_loop3A_127 = arith.addi %parallel_loop3A_125, %parallel_loop3A_126 : i32
      %parallel_loop3A_128 = arith.index_cast %parallel_loop3A_127 : i32 to index
      %parallel_loop3A_129 = tpu.vector_load %arg5[%parallel_loop3A_128] {strides = array<i32>} : memref<16384xi32, #tpu.memory_space<vmem>>, vector<16xi32>,
      %parallel_loop3A_130 = arith.constant 7 : i32
      %parallel_loop3A_131 = vector.broadcast %parallel_loop3A_130 : i32 to vector<16xi32>
      %parallel_loop3A_132 = arith.shrui %parallel_loop3A_129, %parallel_loop3A_131 : vector<16xi32>
      %parallel_loop3A_133 = arith.constant 127 : i32
      %parallel_loop3A_134 = vector.broadcast %parallel_loop3A_133 : i32 to vector<16xi32>
      %parallel_loop3A_135 = arith.andi %parallel_loop3A_129, %parallel_loop3A_134 : vector<16xi32>
      %parallel_loop3A_136 = arith.constant 0 : i32
      %parallel_loop3A_137 = vector.broadcast %parallel_loop3A_136 : i32 to vector<16xi32>
      %parallel_loop3A_138 = tpu.vector_load_idx %arg6[%parallel_loop3A_132, %parallel_loop3A_137, %parallel_loop3A_135] : memref<64x2x128xf32, #tpu.memory_space<vmem>>[vector<16xi32>, vector<16xi32>, vector<16xi32>], vector<16xf32>,
      %parallel_loop3A_139 = arith.constant 1 : i32
      %parallel_loop3A_140 = vector.broadcast %parallel_loop3A_139 : i32 to vector<16xi32>
      %parallel_loop3A_141 = tpu.vector_load_idx %arg6[%parallel_loop3A_132, %parallel_loop3A_140, %parallel_loop3A_135] : memref<64x2x128xf32, #tpu.memory_space<vmem>>[vector<16xi32>, vector<16xi32>, vector<16xi32>], vector<16xf32>,
      %parallel_loop3A_142 = arith.constant 16 : i32
      %parallel_loop3A_143 = arith.addi %parallel_loop3A_125, %parallel_loop3A_142 : i32
      %parallel_loop3A_144 = arith.index_cast %parallel_loop3A_143 : i32 to index
      %parallel_loop3A_145 = tpu.vector_load %arg5[%parallel_loop3A_144] {strides = array<i32>} : memref<16384xi32, #tpu.memory_space<vmem>>, vector<16xi32>,
      %parallel_loop3A_146 = arith.constant 7 : i32
      %parallel_loop3A_147 = vector.broadcast %parallel_loop3A_146 : i32 to vector<16xi32>
      %parallel_loop3A_148 = arith.shrui %parallel_loop3A_145, %parallel_loop3A_147 : vector<16xi32>
      %parallel_loop3A_149 = arith.constant 127 : i32
      %parallel_loop3A_150 = vector.broadcast %parallel_loop3A_149 : i32 to vector<16xi32>
      %parallel_loop3A_151 = arith.andi %parallel_loop3A_145, %parallel_loop3A_150 : vector<16xi32>
      %parallel_loop3A_152 = arith.constant 0 : i32
      %parallel_loop3A_153 = vector.broadcast %parallel_loop3A_152 : i32 to vector<16xi32>
      %parallel_loop3A_154 = tpu.vector_load_idx %arg6[%parallel_loop3A_148, %parallel_loop3A_153, %parallel_loop3A_151] : memref<64x2x128xf32, #tpu.memory_space<vmem>>[vector<16xi32>, vector<16xi32>, vector<16xi32>], vector<16xf32>,
      %parallel_loop3A_155 = arith.constant 1 : i32
      %parallel_loop3A_156 = vector.broadcast %parallel_loop3A_155 : i32 to vector<16xi32>
      %parallel_loop3A_157 = tpu.vector_load_idx %arg6[%parallel_loop3A_148, %parallel_loop3A_156, %parallel_loop3A_151] : memref<64x2x128xf32, #tpu.memory_space<vmem>>[vector<16xi32>, vector<16xi32>, vector<16xi32>], vector<16xf32>,
      %parallel_loop3A_158 = arith.constant 32 : i32
      %parallel_loop3A_159 = arith.addi %parallel_loop3A_125, %parallel_loop3A_158 : i32
      %parallel_loop3A_160 = arith.index_cast %parallel_loop3A_159 : i32 to index
      %parallel_loop3A_161 = tpu.vector_load %arg5[%parallel_loop3A_160] {strides = array<i32>} : memref<16384xi32, #tpu.memory_space<vmem>>, vector<16xi32>,
      %parallel_loop3A_162 = arith.constant 7 : i32
      %parallel_loop3A_163 = vector.broadcast %parallel_loop3A_162 : i32 to vector<16xi32>
      %parallel_loop3A_164 = arith.shrui %parallel_loop3A_161, %parallel_loop3A_163 : vector<16xi32>
      %parallel_loop3A_165 = arith.constant 127 : i32
      %parallel_loop3A_166 = vector.broadcast %parallel_loop3A_165 : i32 to vector<16xi32>
      %parallel_loop3A_167 = arith.andi %parallel_loop3A_161, %parallel_loop3A_166 : vector<16xi32>
      %parallel_loop3A_168 = arith.constant 0 : i32
      %parallel_loop3A_169 = vector.broadcast %parallel_loop3A_168 : i32 to vector<16xi32>
      %parallel_loop3A_170 = tpu.vector_load_idx %arg6[%parallel_loop3A_164, %parallel_loop3A_169, %parallel_loop3A_167] : memref<64x2x128xf32, #tpu.memory_space<vmem>>[vector<16xi32>, vector<16xi32>, vector<16xi32>], vector<16xf32>,
      %parallel_loop3A_171 = arith.constant 1 : i32
      %parallel_loop3A_172 = vector.broadcast %parallel_loop3A_171 : i32 to vector<16xi32>
      %parallel_loop3A_173 = tpu.vector_load_idx %arg6[%parallel_loop3A_164, %parallel_loop3A_172, %parallel_loop3A_167] : memref<64x2x128xf32, #tpu.memory_space<vmem>>[vector<16xi32>, vector<16xi32>, vector<16xi32>], vector<16xf32>,
      %parallel_loop3A_174 = arith.constant 48 : i32
      %parallel_loop3A_175 = arith.addi %parallel_loop3A_125, %parallel_loop3A_174 : i32
      %parallel_loop3A_176 = arith.index_cast %parallel_loop3A_175 : i32 to index
      %parallel_loop3A_177 = tpu.vector_load %arg5[%parallel_loop3A_176] {strides = array<i32>} : memref<16384xi32, #tpu.memory_space<vmem>>, vector<16xi32>,
      %parallel_loop3A_178 = arith.constant 7 : i32
      %parallel_loop3A_179 = vector.broadcast %parallel_loop3A_178 : i32 to vector<16xi32>
      %parallel_loop3A_180 = arith.shrui %parallel_loop3A_177, %parallel_loop3A_179 : vector<16xi32>
      %parallel_loop3A_181 = arith.constant 127 : i32
      %parallel_loop3A_182 = vector.broadcast %parallel_loop3A_181 : i32 to vector<16xi32>
      %parallel_loop3A_183 = arith.andi %parallel_loop3A_177, %parallel_loop3A_182 : vector<16xi32>
      %parallel_loop3A_184 = arith.constant 0 : i32
      %parallel_loop3A_185 = vector.broadcast %parallel_loop3A_184 : i32 to vector<16xi32>
      %parallel_loop3A_186 = tpu.vector_load_idx %arg6[%parallel_loop3A_180, %parallel_loop3A_185, %parallel_loop3A_183] : memref<64x2x128xf32, #tpu.memory_space<vmem>>[vector<16xi32>, vector<16xi32>, vector<16xi32>], vector<16xf32>,
      %parallel_loop3A_187 = arith.constant 1 : i32
      %parallel_loop3A_188 = vector.broadcast %parallel_loop3A_187 : i32 to vector<16xi32>
      %parallel_loop3A_189 = tpu.vector_load_idx %arg6[%parallel_loop3A_180, %parallel_loop3A_188, %parallel_loop3A_183] : memref<64x2x128xf32, #tpu.memory_space<vmem>>[vector<16xi32>, vector<16xi32>, vector<16xi32>], vector<16xf32>,
      %parallel_loop3A_190 = arith.constant 0 : i32
      %parallel_loop3A_191 = arith.index_cast %parallel_loop3A_123 : i32 to index
      %parallel_loop3A_192 = arith.index_cast %parallel_loop3A_190 : i32 to index
      %parallel_loop3A_193 = arith.constant 0 : index
      %parallel_loop3A_194 = tpu.vector_load %arg7[%parallel_loop3A_191, %parallel_loop3A_192, %parallel_loop3A_193] {strides = array<i32>} : memref<128x2x128xf32, #tpu.memory_space<vmem>>, vector<16xf32>,
      tpu.vector_store %arg7[%parallel_loop3A_191, %parallel_loop3A_192, %parallel_loop3A_193], %parallel_loop3A_138 {strides = array<i32>} : memref<128x2x128xf32, #tpu.memory_space<vmem>>, vector<16xf32>,
      %parallel_loop3A_195 = arith.constant 1 : i32
      %parallel_loop3A_196 = arith.index_cast %parallel_loop3A_123 : i32 to index
      %parallel_loop3A_197 = arith.index_cast %parallel_loop3A_195 : i32 to index
      %parallel_loop3A_198 = arith.constant 0 : index
      %parallel_loop3A_199 = tpu.vector_load %arg7[%parallel_loop3A_196, %parallel_loop3A_197, %parallel_loop3A_198] {strides = array<i32>} : memref<128x2x128xf32, #tpu.memory_space<vmem>>, vector<16xf32>,
      tpu.vector_store %arg7[%parallel_loop3A_196, %parallel_loop3A_197, %parallel_loop3A_198], %parallel_loop3A_141 {strides = array<i32>} : memref<128x2x128xf32, #tpu.memory_space<vmem>>, vector<16xf32>,
      %parallel_loop3A_200 = arith.constant 0 : i32
      %parallel_loop3A_201 = arith.index_cast %parallel_loop3A_123 : i32 to index
      %parallel_loop3A_202 = arith.index_cast %parallel_loop3A_200 : i32 to index
      %parallel_loop3A_203 = arith.constant 16 : index
      %parallel_loop3A_204 = tpu.vector_load %arg7[%parallel_loop3A_201, %parallel_loop3A_202, %parallel_loop3A_203] {strides = array<i32>} : memref<128x2x128xf32, #tpu.memory_space<vmem>>, vector<16xf32>,
      tpu.vector_store %arg7[%parallel_loop3A_201, %parallel_loop3A_202, %parallel_loop3A_203], %parallel_loop3A_154 {strides = array<i32>} : memref<128x2x128xf32, #tpu.memory_space<vmem>>, vector<16xf32>,
      %parallel_loop3A_205 = arith.constant 1 : i32
      %parallel_loop3A_206 = arith.index_cast %parallel_loop3A_123 : i32 to index
      %parallel_loop3A_207 = arith.index_cast %parallel_loop3A_205 : i32 to index
      %parallel_loop3A_208 = arith.constant 16 : index
      %parallel_loop3A_209 = tpu.vector_load %arg7[%parallel_loop3A_206, %parallel_loop3A_207, %parallel_loop3A_208] {strides = array<i32>} : memref<128x2x128xf32, #tpu.memory_space<vmem>>, vector<16xf32>,
      tpu.vector_store %arg7[%parallel_loop3A_206, %parallel_loop3A_207, %parallel_loop3A_208], %parallel_loop3A_157 {strides = array<i32>} : memref<128x2x128xf32, #tpu.memory_space<vmem>>, vector<16xf32>,
      %parallel_loop3A_210 = arith.constant 0 : i32
      %parallel_loop3A_211 = arith.index_cast %parallel_loop3A_123 : i32 to index
      %parallel_loop3A_212 = arith.index_cast %parallel_loop3A_210 : i32 to index
      %parallel_loop3A_213 = arith.constant 32 : index
      %parallel_loop3A_214 = tpu.vector_load %arg7[%parallel_loop3A_211, %parallel_loop3A_212, %parallel_loop3A_213] {strides = array<i32>} : memref<128x2x128xf32, #tpu.memory_space<vmem>>, vector<16xf32>,
      tpu.vector_store %arg7[%parallel_loop3A_211, %parallel_loop3A_212, %parallel_loop3A_213], %parallel_loop3A_170 {strides = array<i32>} : memref<128x2x128xf32, #tpu.memory_space<vmem>>, vector<16xf32>,
      %parallel_loop3A_215 = arith.constant 1 : i32
      %parallel_loop3A_216 = arith.index_cast %parallel_loop3A_123 : i32 to index
      %parallel_loop3A_217 = arith.index_cast %parallel_loop3A_215 : i32 to index
      %parallel_loop3A_218 = arith.constant 32 : index
      %parallel_loop3A_219 = tpu.vector_load %arg7[%parallel_loop3A_216, %parallel_loop3A_217, %parallel_loop3A_218] {strides = array<i32>} : memref<128x2x128xf32, #tpu.memory_space<vmem>>, vector<16xf32>,
      tpu.vector_store %arg7[%parallel_loop3A_216, %parallel_loop3A_217, %parallel_loop3A_218], %parallel_loop3A_173 {strides = array<i32>} : memref<128x2x128xf32, #tpu.memory_space<vmem>>, vector<16xf32>,
      %parallel_loop3A_220 = arith.constant 0 : i32
      %parallel_loop3A_221 = arith.index_cast %parallel_loop3A_123 : i32 to index
      %parallel_loop3A_222 = arith.index_cast %parallel_loop3A_220 : i32 to index
      %parallel_loop3A_223 = arith.constant 48 : index
      %parallel_loop3A_224 = tpu.vector_load %arg7[%parallel_loop3A_221, %parallel_loop3A_222, %parallel_loop3A_223] {strides = array<i32>} : memref<128x2x128xf32, #tpu.memory_space<vmem>>, vector<16xf32>,
      tpu.vector_store %arg7[%parallel_loop3A_221, %parallel_loop3A_222, %parallel_loop3A_223], %parallel_loop3A_186 {strides = array<i32>} : memref<128x2x128xf32, #tpu.memory_space<vmem>>, vector<16xf32>,
      %parallel_loop3A_225 = arith.constant 1 : i32
      %parallel_loop3A_226 = arith.index_cast %parallel_loop3A_123 : i32 to index
      %parallel_loop3A_227 = arith.index_cast %parallel_loop3A_225 : i32 to index
      %parallel_loop3A_228 = arith.constant 48 : index
      %parallel_loop3A_229 = tpu.vector_load %arg7[%parallel_loop3A_226, %parallel_loop3A_227, %parallel_loop3A_228] {strides = array<i32>} : memref<128x2x128xf32, #tpu.memory_space<vmem>>, vector<16xf32>,
      tpu.vector_store %arg7[%parallel_loop3A_226, %parallel_loop3A_227, %parallel_loop3A_228], %parallel_loop3A_189 {strides = array<i32>} : memref<128x2x128xf32, #tpu.memory_space<vmem>>, vector<16xf32>,
      %parallel_loop3A_230 = arith.constant 64 : i32
      %parallel_loop3A_231 = arith.addi %parallel_loop3A_125, %parallel_loop3A_230 : i32
      %parallel_loop3A_232 = arith.index_cast %parallel_loop3A_231 : i32 to index
      %parallel_loop3A_233 = tpu.vector_load %arg5[%parallel_loop3A_232] {strides = array<i32>} : memref<16384xi32, #tpu.memory_space<vmem>>, vector<16xi32>,
      %parallel_loop3A_234 = arith.constant 7 : i32
      %parallel_loop3A_235 = vector.broadcast %parallel_loop3A_234 : i32 to vector<16xi32>
      %parallel_loop3A_236 = arith.shrui %parallel_loop3A_233, %parallel_loop3A_235 : vector<16xi32>
      %parallel_loop3A_237 = arith.constant 127 : i32
      %parallel_loop3A_238 = vector.broadcast %parallel_loop3A_237 : i32 to vector<16xi32>
      %parallel_loop3A_239 = arith.andi %parallel_loop3A_233, %parallel_loop3A_238 : vector<16xi32>
      %parallel_loop3A_240 = arith.constant 0 : i32
      %parallel_loop3A_241 = vector.broadcast %parallel_loop3A_240 : i32 to vector<16xi32>
      %parallel_loop3A_242 = tpu.vector_load_idx %arg6[%parallel_loop3A_236, %parallel_loop3A_241, %parallel_loop3A_239] : memref<64x2x128xf32, #tpu.memory_space<vmem>>[vector<16xi32>, vector<16xi32>, vector<16xi32>], vector<16xf32>,
      %parallel_loop3A_243 = arith.constant 1 : i32
      %parallel_loop3A_244 = vector.broadcast %parallel_loop3A_243 : i32 to vector<16xi32>
      %parallel_loop3A_245 = tpu.vector_load_idx %arg6[%parallel_loop3A_236, %parallel_loop3A_244, %parallel_loop3A_239] : memref<64x2x128xf32, #tpu.memory_space<vmem>>[vector<16xi32>, vector<16xi32>, vector<16xi32>], vector<16xf32>,
      %parallel_loop3A_246 = arith.constant 80 : i32
      %parallel_loop3A_247 = arith.addi %parallel_loop3A_125, %parallel_loop3A_246 : i32
      %parallel_loop3A_248 = arith.index_cast %parallel_loop3A_247 : i32 to index
      %parallel_loop3A_249 = tpu.vector_load %arg5[%parallel_loop3A_248] {strides = array<i32>} : memref<16384xi32, #tpu.memory_space<vmem>>, vector<16xi32>,
      %parallel_loop3A_250 = arith.constant 7 : i32
      %parallel_loop3A_251 = vector.broadcast %parallel_loop3A_250 : i32 to vector<16xi32>
      %parallel_loop3A_252 = arith.shrui %parallel_loop3A_249, %parallel_loop3A_251 : vector<16xi32>
      %parallel_loop3A_253 = arith.constant 127 : i32
      %parallel_loop3A_254 = vector.broadcast %parallel_loop3A_253 : i32 to vector<16xi32>
      %parallel_loop3A_255 = arith.andi %parallel_loop3A_249, %parallel_loop3A_254 : vector<16xi32>
      %parallel_loop3A_256 = arith.constant 0 : i32
      %parallel_loop3A_257 = vector.broadcast %parallel_loop3A_256 : i32 to vector<16xi32>
      %parallel_loop3A_258 = tpu.vector_load_idx %arg6[%parallel_loop3A_252, %parallel_loop3A_257, %parallel_loop3A_255] : memref<64x2x128xf32, #tpu.memory_space<vmem>>[vector<16xi32>, vector<16xi32>, vector<16xi32>], vector<16xf32>,
      %parallel_loop3A_259 = arith.constant 1 : i32
      %parallel_loop3A_260 = vector.broadcast %parallel_loop3A_259 : i32 to vector<16xi32>
      %parallel_loop3A_261 = tpu.vector_load_idx %arg6[%parallel_loop3A_252, %parallel_loop3A_260, %parallel_loop3A_255] : memref<64x2x128xf32, #tpu.memory_space<vmem>>[vector<16xi32>, vector<16xi32>, vector<16xi32>], vector<16xf32>,
      %parallel_loop3A_262 = arith.constant 96 : i32
      %parallel_loop3A_263 = arith.addi %parallel_loop3A_125, %parallel_loop3A_262 : i32
      %parallel_loop3A_264 = arith.index_cast %parallel_loop3A_263 : i32 to index
      %parallel_loop3A_265 = tpu.vector_load %arg5[%parallel_loop3A_264] {strides = array<i32>} : memref<16384xi32, #tpu.memory_space<vmem>>, vector<16xi32>,
      %parallel_loop3A_266 = arith.constant 7 : i32
      %parallel_loop3A_267 = vector.broadcast %parallel_loop3A_266 : i32 to vector<16xi32>
      %parallel_loop3A_268 = arith.shrui %parallel_loop3A_265, %parallel_loop3A_267 : vector<16xi32>
      %parallel_loop3A_269 = arith.constant 127 : i32
      %parallel_loop3A_270 = vector.broadcast %parallel_loop3A_269 : i32 to vector<16xi32>
      %parallel_loop3A_271 = arith.andi %parallel_loop3A_265, %parallel_loop3A_270 : vector<16xi32>
      %parallel_loop3A_272 = arith.constant 0 : i32
      %parallel_loop3A_273 = vector.broadcast %parallel_loop3A_272 : i32 to vector<16xi32>
      %parallel_loop3A_274 = tpu.vector_load_idx %arg6[%parallel_loop3A_268, %parallel_loop3A_273, %parallel_loop3A_271] : memref<64x2x128xf32, #tpu.memory_space<vmem>>[vector<16xi32>, vector<16xi32>, vector<16xi32>], vector<16xf32>,
      %parallel_loop3A_275 = arith.constant 1 : i32
      %parallel_loop3A_276 = vector.broadcast %parallel_loop3A_275 : i32 to vector<16xi32>
      %parallel_loop3A_277 = tpu.vector_load_idx %arg6[%parallel_loop3A_268, %parallel_loop3A_276, %parallel_loop3A_271] : memref<64x2x128xf32, #tpu.memory_space<vmem>>[vector<16xi32>, vector<16xi32>, vector<16xi32>], vector<16xf32>,
      %parallel_loop3A_278 = arith.constant 112 : i32
      %parallel_loop3A_279 = arith.addi %parallel_loop3A_125, %parallel_loop3A_278 : i32
      %parallel_loop3A_280 = arith.index_cast %parallel_loop3A_279 : i32 to index
      %parallel_loop3A_281 = tpu.vector_load %arg5[%parallel_loop3A_280] {strides = array<i32>} : memref<16384xi32, #tpu.memory_space<vmem>>, vector<16xi32>,
      %parallel_loop3A_282 = arith.constant 7 : i32
      %parallel_loop3A_283 = vector.broadcast %parallel_loop3A_282 : i32 to vector<16xi32>
      %parallel_loop3A_284 = arith.shrui %parallel_loop3A_281, %parallel_loop3A_283 : vector<16xi32>
      %parallel_loop3A_285 = arith.constant 127 : i32
      %parallel_loop3A_286 = vector.broadcast %parallel_loop3A_285 : i32 to vector<16xi32>
      %parallel_loop3A_287 = arith.andi %parallel_loop3A_281, %parallel_loop3A_286 : vector<16xi32>
      %parallel_loop3A_288 = arith.constant 0 : i32
      %parallel_loop3A_289 = vector.broadcast %parallel_loop3A_288 : i32 to vector<16xi32>
      %parallel_loop3A_290 = tpu.vector_load_idx %arg6[%parallel_loop3A_284, %parallel_loop3A_289, %parallel_loop3A_287] : memref<64x2x128xf32, #tpu.memory_space<vmem>>[vector<16xi32>, vector<16xi32>, vector<16xi32>], vector<16xf32>,
      %parallel_loop3A_291 = arith.constant 1 : i32
      %parallel_loop3A_292 = vector.broadcast %parallel_loop3A_291 : i32 to vector<16xi32>
      %parallel_loop3A_293 = tpu.vector_load_idx %arg6[%parallel_loop3A_284, %parallel_loop3A_292, %parallel_loop3A_287] : memref<64x2x128xf32, #tpu.memory_space<vmem>>[vector<16xi32>, vector<16xi32>, vector<16xi32>], vector<16xf32>,
      %parallel_loop3A_294 = arith.constant 0 : i32
      %parallel_loop3A_295 = arith.index_cast %parallel_loop3A_123 : i32 to index
      %parallel_loop3A_296 = arith.index_cast %parallel_loop3A_294 : i32 to index
      %parallel_loop3A_297 = arith.constant 64 : index
      %parallel_loop3A_298 = tpu.vector_load %arg7[%parallel_loop3A_295, %parallel_loop3A_296, %parallel_loop3A_297] {strides = array<i32>} : memref<128x2x128xf32, #tpu.memory_space<vmem>>, vector<16xf32>,
      tpu.vector_store %arg7[%parallel_loop3A_295, %parallel_loop3A_296, %parallel_loop3A_297], %parallel_loop3A_242 {strides = array<i32>} : memref<128x2x128xf32, #tpu.memory_space<vmem>>, vector<16xf32>,
      %parallel_loop3A_299 = arith.constant 1 : i32
      %parallel_loop3A_300 = arith.index_cast %parallel_loop3A_123 : i32 to index
      %parallel_loop3A_301 = arith.index_cast %parallel_loop3A_299 : i32 to index
      %parallel_loop3A_302 = arith.constant 64 : index
      %parallel_loop3A_303 = tpu.vector_load %arg7[%parallel_loop3A_300, %parallel_loop3A_301, %parallel_loop3A_302] {strides = array<i32>} : memref<128x2x128xf32, #tpu.memory_space<vmem>>, vector<16xf32>,
      tpu.vector_store %arg7[%parallel_loop3A_300, %parallel_loop3A_301, %parallel_loop3A_302], %parallel_loop3A_245 {strides = array<i32>} : memref<128x2x128xf32, #tpu.memory_space<vmem>>, vector<16xf32>,
      %parallel_loop3A_304 = arith.constant 0 : i32
      %parallel_loop3A_305 = arith.index_cast %parallel_loop3A_123 : i32 to index
      %parallel_loop3A_306 = arith.index_cast %parallel_loop3A_304 : i32 to index
      %parallel_loop3A_307 = arith.constant 80 : index
      %parallel_loop3A_308 = tpu.vector_load %arg7[%parallel_loop3A_305, %parallel_loop3A_306, %parallel_loop3A_307] {strides = array<i32>} : memref<128x2x128xf32, #tpu.memory_space<vmem>>, vector<16xf32>,
      tpu.vector_store %arg7[%parallel_loop3A_305, %parallel_loop3A_306, %parallel_loop3A_307], %parallel_loop3A_258 {strides = array<i32>} : memref<128x2x128xf32, #tpu.memory_space<vmem>>, vector<16xf32>,
      %parallel_loop3A_309 = arith.constant 1 : i32
      %parallel_loop3A_310 = arith.index_cast %parallel_loop3A_123 : i32 to index
      %parallel_loop3A_311 = arith.index_cast %parallel_loop3A_309 : i32 to index
      %parallel_loop3A_312 = arith.constant 80 : index
      %parallel_loop3A_313 = tpu.vector_load %arg7[%parallel_loop3A_310, %parallel_loop3A_311, %parallel_loop3A_312] {strides = array<i32>} : memref<128x2x128xf32, #tpu.memory_space<vmem>>, vector<16xf32>,
      tpu.vector_store %arg7[%parallel_loop3A_310, %parallel_loop3A_311, %parallel_loop3A_312], %parallel_loop3A_261 {strides = array<i32>} : memref<128x2x128xf32, #tpu.memory_space<vmem>>, vector<16xf32>,
      %parallel_loop3A_314 = arith.constant 0 : i32
      %parallel_loop3A_315 = arith.index_cast %parallel_loop3A_123 : i32 to index
      %parallel_loop3A_316 = arith.index_cast %parallel_loop3A_314 : i32 to index
      %parallel_loop3A_317 = arith.constant 96 : index
      %parallel_loop3A_318 = tpu.vector_load %arg7[%parallel_loop3A_315, %parallel_loop3A_316, %parallel_loop3A_317] {strides = array<i32>} : memref<128x2x128xf32, #tpu.memory_space<vmem>>, vector<16xf32>,
      tpu.vector_store %arg7[%parallel_loop3A_315, %parallel_loop3A_316, %parallel_loop3A_317], %parallel_loop3A_274 {strides = array<i32>} : memref<128x2x128xf32, #tpu.memory_space<vmem>>, vector<16xf32>,
      %parallel_loop3A_319 = arith.constant 1 : i32
      %parallel_loop3A_320 = arith.index_cast %parallel_loop3A_123 : i32 to index
      %parallel_loop3A_321 = arith.index_cast %parallel_loop3A_319 : i32 to index
      %parallel_loop3A_322 = arith.constant 96 : index
      %parallel_loop3A_323 = tpu.vector_load %arg7[%parallel_loop3A_320, %parallel_loop3A_321, %parallel_loop3A_322] {strides = array<i32>} : memref<128x2x128xf32, #tpu.memory_space<vmem>>, vector<16xf32>,
      tpu.vector_store %arg7[%parallel_loop3A_320, %parallel_loop3A_321, %parallel_loop3A_322], %parallel_loop3A_277 {strides = array<i32>} : memref<128x2x128xf32, #tpu.memory_space<vmem>>, vector<16xf32>,
      %parallel_loop3A_324 = arith.constant 0 : i32
      %parallel_loop3A_325 = arith.index_cast %parallel_loop3A_123 : i32 to index
      %parallel_loop3A_326 = arith.index_cast %parallel_loop3A_324 : i32 to index
      %parallel_loop3A_327 = arith.constant 112 : index
      %parallel_loop3A_328 = tpu.vector_load %arg7[%parallel_loop3A_325, %parallel_loop3A_326, %parallel_loop3A_327] {strides = array<i32>} : memref<128x2x128xf32, #tpu.memory_space<vmem>>, vector<16xf32>,
      tpu.vector_store %arg7[%parallel_loop3A_325, %parallel_loop3A_326, %parallel_loop3A_327], %parallel_loop3A_290 {strides = array<i32>} : memref<128x2x128xf32, #tpu.memory_space<vmem>>, vector<16xf32>,
      %parallel_loop3A_329 = arith.constant 1 : i32
      %parallel_loop3A_330 = arith.index_cast %parallel_loop3A_123 : i32 to index
      %parallel_loop3A_331 = arith.index_cast %parallel_loop3A_329 : i32 to index
      %parallel_loop3A_332 = arith.constant 112 : index
      %parallel_loop3A_333 = tpu.vector_load %arg7[%parallel_loop3A_330, %parallel_loop3A_331, %parallel_loop3A_332] {strides = array<i32>} : memref<128x2x128xf32, #tpu.memory_space<vmem>>, vector<16xf32>,
      tpu.vector_store %arg7[%parallel_loop3A_330, %parallel_loop3A_331, %parallel_loop3A_332], %parallel_loop3A_293 {strides = array<i32>} : memref<128x2x128xf32, #tpu.memory_space<vmem>>, vector<16xf32>,
    } {sc.loop_unroll_factor = 2 : i64, sc.parallel_access}
    %mul3A_52 = arith.constant 2 : i32
    %mul3A_53 = arith.muli %mul3A_52, %select_n3A_30 : i32
    %dma_start3A_54 = arith.constant 0 : i32
    %dma_start3A_55 = arith.constant 0 : i32
    %dma_start3A_56 = arith.constant 0 : i32
    %dma_start3A_57 = tpu.memref_slice %arg7[%dma_start3A_54, %dma_start3A_55, %dma_start3A_56] : memref<128x2x128xf32, #tpu.memory_space<vmem>> -> memref<64x2x128xf32, #tpu.memory_space<vmem>>
    %dma_start3A_58 = arith.constant 0 : i32
    %dma_start3A_59 = arith.constant 0 : i32
    %dma_start3A_60 = tpu.memref_slice %arg4[%select_n3A, %dma_start3A_58, %mul3A_53, %dma_start3A_59] : memref<8x128x8x128xf32, #tpu.memory_space<hbm>> -> memref<1x64x2x128xf32, #tpu.memory_space<hbm>>
    %dma_start3A_61 = tpu.memref_squeeze %dma_start3A_60 : memref<1x64x2x128xf32, #tpu.memory_space<hbm>> -> memref<64x2x128xf32, #tpu.memory_space<hbm>>
    %dma_start3A_62 = arith.constant 0 : i32
    %dma_start3A_63 = arith.constant 0 : i32
    %dma_start3A_64 = tpu.memref_slice %arg4[%select_n3A, %dma_start3A_62, %mul3A_53, %dma_start3A_63] : memref<8x128x8x128xf32, #tpu.memory_space<hbm>> -> memref<1x64x2x128xf32, #tpu.memory_space<hbm>>
    %dma_start3A_65 = tpu.memref_squeeze %dma_start3A_64 : memref<1x64x2x128xf32, #tpu.memory_space<hbm>> -> memref<64x2x128xf32, #tpu.memory_space<hbm>>
    %dma_start3A_66 = arith.constant 0 : i32
    %dma_start3A_67 = arith.constant 0 : i32
    %dma_start3A_68 = arith.constant 0 : i32
    %dma_start3A_69 = tpu.memref_slice %arg7[%dma_start3A_66, %dma_start3A_67, %dma_start3A_68] : memref<128x2x128xf32, #tpu.memory_space<vmem>> -> memref<64x2x128xf32, #tpu.memory_space<vmem>>
    tpu.enqueue_dma source(%dma_start3A_69 : memref<64x2x128xf32, #tpu.memory_space<vmem>>) target(%dma_start3A_65 : memref<64x2x128xf32, #tpu.memory_space<hbm>>) target_semaphore(%arg9 : memref<!tpu.dma_semaphore, #tpu.memory_space<semaphore_mem>>)
    %parallel_loop3A_70 = arith.constant 64 : i32
    %parallel_loop3A_71 = arith.constant 128 : i32
    %parallel_loop3A_72 = arith.constant 1 : i32
    scf.for %parallel_loop3A_123 = %parallel_loop3A_70 to %parallel_loop3A_71 step %parallel_loop3A_72  : i32 {
      %parallel_loop3A_124 = arith.constant 128 : i32
      %parallel_loop3A_125 = arith.muli %parallel_loop3A_123, %parallel_loop3A_124 : i32
      %parallel_loop3A_126 = arith.constant 0 : i32
      %parallel_loop3A_127 = arith.addi %parallel_loop3A_125, %parallel_loop3A_126 : i32
      %parallel_loop3A_128 = arith.index_cast %parallel_loop3A_127 : i32 to index
      %parallel_loop3A_129 = tpu.vector_load %arg5[%parallel_loop3A_128] {strides = array<i32>} : memref<16384xi32, #tpu.memory_space<vmem>>, vector<16xi32>,
      %parallel_loop3A_130 = arith.constant 7 : i32
      %parallel_loop3A_131 = vector.broadcast %parallel_loop3A_130 : i32 to vector<16xi32>
      %parallel_loop3A_132 = arith.shrui %parallel_loop3A_129, %parallel_loop3A_131 : vector<16xi32>
      %parallel_loop3A_133 = arith.constant 127 : i32
      %parallel_loop3A_134 = vector.broadcast %parallel_loop3A_133 : i32 to vector<16xi32>
      %parallel_loop3A_135 = arith.andi %parallel_loop3A_129, %parallel_loop3A_134 : vector<16xi32>
      %parallel_loop3A_136 = arith.constant 0 : i32
      %parallel_loop3A_137 = vector.broadcast %parallel_loop3A_136 : i32 to vector<16xi32>
      %parallel_loop3A_138 = tpu.vector_load_idx %arg6[%parallel_loop3A_132, %parallel_loop3A_137, %parallel_loop3A_135] : memref<64x2x128xf32, #tpu.memory_space<vmem>>[vector<16xi32>, vector<16xi32>, vector<16xi32>], vector<16xf32>,
      %parallel_loop3A_139 = arith.constant 1 : i32
      %parallel_loop3A_140 = vector.broadcast %parallel_loop3A_139 : i32 to vector<16xi32>
      %parallel_loop3A_141 = tpu.vector_load_idx %arg6[%parallel_loop3A_132, %parallel_loop3A_140, %parallel_loop3A_135] : memref<64x2x128xf32, #tpu.memory_space<vmem>>[vector<16xi32>, vector<16xi32>, vector<16xi32>], vector<16xf32>,
      %parallel_loop3A_142 = arith.constant 16 : i32
      %parallel_loop3A_143 = arith.addi %parallel_loop3A_125, %parallel_loop3A_142 : i32
      %parallel_loop3A_144 = arith.index_cast %parallel_loop3A_143 : i32 to index
      %parallel_loop3A_145 = tpu.vector_load %arg5[%parallel_loop3A_144] {strides = array<i32>} : memref<16384xi32, #tpu.memory_space<vmem>>, vector<16xi32>,
      %parallel_loop3A_146 = arith.constant 7 : i32
      %parallel_loop3A_147 = vector.broadcast %parallel_loop3A_146 : i32 to vector<16xi32>
      %parallel_loop3A_148 = arith.shrui %parallel_loop3A_145, %parallel_loop3A_147 : vector<16xi32>
      %parallel_loop3A_149 = arith.constant 127 : i32
      %parallel_loop3A_150 = vector.broadcast %parallel_loop3A_149 : i32 to vector<16xi32>
      %parallel_loop3A_151 = arith.andi %parallel_loop3A_145, %parallel_loop3A_150 : vector<16xi32>
      %parallel_loop3A_152 = arith.constant 0 : i32
      %parallel_loop3A_153 = vector.broadcast %parallel_loop3A_152 : i32 to vector<16xi32>
      %parallel_loop3A_154 = tpu.vector_load_idx %arg6[%parallel_loop3A_148, %parallel_loop3A_153, %parallel_loop3A_151] : memref<64x2x128xf32, #tpu.memory_space<vmem>>[vector<16xi32>, vector<16xi32>, vector<16xi32>], vector<16xf32>,
      %parallel_loop3A_155 = arith.constant 1 : i32
      %parallel_loop3A_156 = vector.broadcast %parallel_loop3A_155 : i32 to vector<16xi32>
      %parallel_loop3A_157 = tpu.vector_load_idx %arg6[%parallel_loop3A_148, %parallel_loop3A_156, %parallel_loop3A_151] : memref<64x2x128xf32, #tpu.memory_space<vmem>>[vector<16xi32>, vector<16xi32>, vector<16xi32>], vector<16xf32>,
      %parallel_loop3A_158 = arith.constant 32 : i32
      %parallel_loop3A_159 = arith.addi %parallel_loop3A_125, %parallel_loop3A_158 : i32
      %parallel_loop3A_160 = arith.index_cast %parallel_loop3A_159 : i32 to index
      %parallel_loop3A_161 = tpu.vector_load %arg5[%parallel_loop3A_160] {strides = array<i32>} : memref<16384xi32, #tpu.memory_space<vmem>>, vector<16xi32>,
      %parallel_loop3A_162 = arith.constant 7 : i32
      %parallel_loop3A_163 = vector.broadcast %parallel_loop3A_162 : i32 to vector<16xi32>
      %parallel_loop3A_164 = arith.shrui %parallel_loop3A_161, %parallel_loop3A_163 : vector<16xi32>
      %parallel_loop3A_165 = arith.constant 127 : i32
      %parallel_loop3A_166 = vector.broadcast %parallel_loop3A_165 : i32 to vector<16xi32>
      %parallel_loop3A_167 = arith.andi %parallel_loop3A_161, %parallel_loop3A_166 : vector<16xi32>
      %parallel_loop3A_168 = arith.constant 0 : i32
      %parallel_loop3A_169 = vector.broadcast %parallel_loop3A_168 : i32 to vector<16xi32>
      %parallel_loop3A_170 = tpu.vector_load_idx %arg6[%parallel_loop3A_164, %parallel_loop3A_169, %parallel_loop3A_167] : memref<64x2x128xf32, #tpu.memory_space<vmem>>[vector<16xi32>, vector<16xi32>, vector<16xi32>], vector<16xf32>,
      %parallel_loop3A_171 = arith.constant 1 : i32
      %parallel_loop3A_172 = vector.broadcast %parallel_loop3A_171 : i32 to vector<16xi32>
      %parallel_loop3A_173 = tpu.vector_load_idx %arg6[%parallel_loop3A_164, %parallel_loop3A_172, %parallel_loop3A_167] : memref<64x2x128xf32, #tpu.memory_space<vmem>>[vector<16xi32>, vector<16xi32>, vector<16xi32>], vector<16xf32>,
      %parallel_loop3A_174 = arith.constant 48 : i32
      %parallel_loop3A_175 = arith.addi %parallel_loop3A_125, %parallel_loop3A_174 : i32
      %parallel_loop3A_176 = arith.index_cast %parallel_loop3A_175 : i32 to index
      %parallel_loop3A_177 = tpu.vector_load %arg5[%parallel_loop3A_176] {strides = array<i32>} : memref<16384xi32, #tpu.memory_space<vmem>>, vector<16xi32>,
      %parallel_loop3A_178 = arith.constant 7 : i32
      %parallel_loop3A_179 = vector.broadcast %parallel_loop3A_178 : i32 to vector<16xi32>
      %parallel_loop3A_180 = arith.shrui %parallel_loop3A_177, %parallel_loop3A_179 : vector<16xi32>
      %parallel_loop3A_181 = arith.constant 127 : i32
      %parallel_loop3A_182 = vector.broadcast %parallel_loop3A_181 : i32 to vector<16xi32>
      %parallel_loop3A_183 = arith.andi %parallel_loop3A_177, %parallel_loop3A_182 : vector<16xi32>
      %parallel_loop3A_184 = arith.constant 0 : i32
      %parallel_loop3A_185 = vector.broadcast %parallel_loop3A_184 : i32 to vector<16xi32>
      %parallel_loop3A_186 = tpu.vector_load_idx %arg6[%parallel_loop3A_180, %parallel_loop3A_185, %parallel_loop3A_183] : memref<64x2x128xf32, #tpu.memory_space<vmem>>[vector<16xi32>, vector<16xi32>, vector<16xi32>], vector<16xf32>,
      %parallel_loop3A_187 = arith.constant 1 : i32
      %parallel_loop3A_188 = vector.broadcast %parallel_loop3A_187 : i32 to vector<16xi32>
      %parallel_loop3A_189 = tpu.vector_load_idx %arg6[%parallel_loop3A_180, %parallel_loop3A_188, %parallel_loop3A_183] : memref<64x2x128xf32, #tpu.memory_space<vmem>>[vector<16xi32>, vector<16xi32>, vector<16xi32>], vector<16xf32>,
      %parallel_loop3A_190 = arith.constant 0 : i32
      %parallel_loop3A_191 = arith.index_cast %parallel_loop3A_123 : i32 to index
      %parallel_loop3A_192 = arith.index_cast %parallel_loop3A_190 : i32 to index
      %parallel_loop3A_193 = arith.constant 0 : index
      %parallel_loop3A_194 = tpu.vector_load %arg7[%parallel_loop3A_191, %parallel_loop3A_192, %parallel_loop3A_193] {strides = array<i32>} : memref<128x2x128xf32, #tpu.memory_space<vmem>>, vector<16xf32>,
      tpu.vector_store %arg7[%parallel_loop3A_191, %parallel_loop3A_192, %parallel_loop3A_193], %parallel_loop3A_138 {strides = array<i32>} : memref<128x2x128xf32, #tpu.memory_space<vmem>>, vector<16xf32>,
      %parallel_loop3A_195 = arith.constant 1 : i32
      %parallel_loop3A_196 = arith.index_cast %parallel_loop3A_123 : i32 to index
      %parallel_loop3A_197 = arith.index_cast %parallel_loop3A_195 : i32 to index
      %parallel_loop3A_198 = arith.constant 0 : index
      %parallel_loop3A_199 = tpu.vector_load %arg7[%parallel_loop3A_196, %parallel_loop3A_197, %parallel_loop3A_198] {strides = array<i32>} : memref<128x2x128xf32, #tpu.memory_space<vmem>>, vector<16xf32>,
      tpu.vector_store %arg7[%parallel_loop3A_196, %parallel_loop3A_197, %parallel_loop3A_198], %parallel_loop3A_141 {strides = array<i32>} : memref<128x2x128xf32, #tpu.memory_space<vmem>>, vector<16xf32>,
      %parallel_loop3A_200 = arith.constant 0 : i32
      %parallel_loop3A_201 = arith.index_cast %parallel_loop3A_123 : i32 to index
      %parallel_loop3A_202 = arith.index_cast %parallel_loop3A_200 : i32 to index
      %parallel_loop3A_203 = arith.constant 16 : index
      %parallel_loop3A_204 = tpu.vector_load %arg7[%parallel_loop3A_201, %parallel_loop3A_202, %parallel_loop3A_203] {strides = array<i32>} : memref<128x2x128xf32, #tpu.memory_space<vmem>>, vector<16xf32>,
      tpu.vector_store %arg7[%parallel_loop3A_201, %parallel_loop3A_202, %parallel_loop3A_203], %parallel_loop3A_154 {strides = array<i32>} : memref<128x2x128xf32, #tpu.memory_space<vmem>>, vector<16xf32>,
      %parallel_loop3A_205 = arith.constant 1 : i32
      %parallel_loop3A_206 = arith.index_cast %parallel_loop3A_123 : i32 to index
      %parallel_loop3A_207 = arith.index_cast %parallel_loop3A_205 : i32 to index
      %parallel_loop3A_208 = arith.constant 16 : index
      %parallel_loop3A_209 = tpu.vector_load %arg7[%parallel_loop3A_206, %parallel_loop3A_207, %parallel_loop3A_208] {strides = array<i32>} : memref<128x2x128xf32, #tpu.memory_space<vmem>>, vector<16xf32>,
      tpu.vector_store %arg7[%parallel_loop3A_206, %parallel_loop3A_207, %parallel_loop3A_208], %parallel_loop3A_157 {strides = array<i32>} : memref<128x2x128xf32, #tpu.memory_space<vmem>>, vector<16xf32>,
      %parallel_loop3A_210 = arith.constant 0 : i32
      %parallel_loop3A_211 = arith.index_cast %parallel_loop3A_123 : i32 to index
      %parallel_loop3A_212 = arith.index_cast %parallel_loop3A_210 : i32 to index
      %parallel_loop3A_213 = arith.constant 32 : index
      %parallel_loop3A_214 = tpu.vector_load %arg7[%parallel_loop3A_211, %parallel_loop3A_212, %parallel_loop3A_213] {strides = array<i32>} : memref<128x2x128xf32, #tpu.memory_space<vmem>>, vector<16xf32>,
      tpu.vector_store %arg7[%parallel_loop3A_211, %parallel_loop3A_212, %parallel_loop3A_213], %parallel_loop3A_170 {strides = array<i32>} : memref<128x2x128xf32, #tpu.memory_space<vmem>>, vector<16xf32>,
      %parallel_loop3A_215 = arith.constant 1 : i32
      %parallel_loop3A_216 = arith.index_cast %parallel_loop3A_123 : i32 to index
      %parallel_loop3A_217 = arith.index_cast %parallel_loop3A_215 : i32 to index
      %parallel_loop3A_218 = arith.constant 32 : index
      %parallel_loop3A_219 = tpu.vector_load %arg7[%parallel_loop3A_216, %parallel_loop3A_217, %parallel_loop3A_218] {strides = array<i32>} : memref<128x2x128xf32, #tpu.memory_space<vmem>>, vector<16xf32>,
      tpu.vector_store %arg7[%parallel_loop3A_216, %parallel_loop3A_217, %parallel_loop3A_218], %parallel_loop3A_173 {strides = array<i32>} : memref<128x2x128xf32, #tpu.memory_space<vmem>>, vector<16xf32>,
      %parallel_loop3A_220 = arith.constant 0 : i32
      %parallel_loop3A_221 = arith.index_cast %parallel_loop3A_123 : i32 to index
      %parallel_loop3A_222 = arith.index_cast %parallel_loop3A_220 : i32 to index
      %parallel_loop3A_223 = arith.constant 48 : index
      %parallel_loop3A_224 = tpu.vector_load %arg7[%parallel_loop3A_221, %parallel_loop3A_222, %parallel_loop3A_223] {strides = array<i32>} : memref<128x2x128xf32, #tpu.memory_space<vmem>>, vector<16xf32>,
      tpu.vector_store %arg7[%parallel_loop3A_221, %parallel_loop3A_222, %parallel_loop3A_223], %parallel_loop3A_186 {strides = array<i32>} : memref<128x2x128xf32, #tpu.memory_space<vmem>>, vector<16xf32>,
      %parallel_loop3A_225 = arith.constant 1 : i32
      %parallel_loop3A_226 = arith.index_cast %parallel_loop3A_123 : i32 to index
      %parallel_loop3A_227 = arith.index_cast %parallel_loop3A_225 : i32 to index
      %parallel_loop3A_228 = arith.constant 48 : index
      %parallel_loop3A_229 = tpu.vector_load %arg7[%parallel_loop3A_226, %parallel_loop3A_227, %parallel_loop3A_228] {strides = array<i32>} : memref<128x2x128xf32, #tpu.memory_space<vmem>>, vector<16xf32>,
      tpu.vector_store %arg7[%parallel_loop3A_226, %parallel_loop3A_227, %parallel_loop3A_228], %parallel_loop3A_189 {strides = array<i32>} : memref<128x2x128xf32, #tpu.memory_space<vmem>>, vector<16xf32>,
      %parallel_loop3A_230 = arith.constant 64 : i32
      %parallel_loop3A_231 = arith.addi %parallel_loop3A_125, %parallel_loop3A_230 : i32
      %parallel_loop3A_232 = arith.index_cast %parallel_loop3A_231 : i32 to index
      %parallel_loop3A_233 = tpu.vector_load %arg5[%parallel_loop3A_232] {strides = array<i32>} : memref<16384xi32, #tpu.memory_space<vmem>>, vector<16xi32>,
      %parallel_loop3A_234 = arith.constant 7 : i32
      %parallel_loop3A_235 = vector.broadcast %parallel_loop3A_234 : i32 to vector<16xi32>
      %parallel_loop3A_236 = arith.shrui %parallel_loop3A_233, %parallel_loop3A_235 : vector<16xi32>
      %parallel_loop3A_237 = arith.constant 127 : i32
      %parallel_loop3A_238 = vector.broadcast %parallel_loop3A_237 : i32 to vector<16xi32>
      %parallel_loop3A_239 = arith.andi %parallel_loop3A_233, %parallel_loop3A_238 : vector<16xi32>
      %parallel_loop3A_240 = arith.constant 0 : i32
      %parallel_loop3A_241 = vector.broadcast %parallel_loop3A_240 : i32 to vector<16xi32>
      %parallel_loop3A_242 = tpu.vector_load_idx %arg6[%parallel_loop3A_236, %parallel_loop3A_241, %parallel_loop3A_239] : memref<64x2x128xf32, #tpu.memory_space<vmem>>[vector<16xi32>, vector<16xi32>, vector<16xi32>], vector<16xf32>,
      %parallel_loop3A_243 = arith.constant 1 : i32
      %parallel_loop3A_244 = vector.broadcast %parallel_loop3A_243 : i32 to vector<16xi32>
      %parallel_loop3A_245 = tpu.vector_load_idx %arg6[%parallel_loop3A_236, %parallel_loop3A_244, %parallel_loop3A_239] : memref<64x2x128xf32, #tpu.memory_space<vmem>>[vector<16xi32>, vector<16xi32>, vector<16xi32>], vector<16xf32>,
      %parallel_loop3A_246 = arith.constant 80 : i32
      %parallel_loop3A_247 = arith.addi %parallel_loop3A_125, %parallel_loop3A_246 : i32
      %parallel_loop3A_248 = arith.index_cast %parallel_loop3A_247 : i32 to index
      %parallel_loop3A_249 = tpu.vector_load %arg5[%parallel_loop3A_248] {strides = array<i32>} : memref<16384xi32, #tpu.memory_space<vmem>>, vector<16xi32>,
      %parallel_loop3A_250 = arith.constant 7 : i32
      %parallel_loop3A_251 = vector.broadcast %parallel_loop3A_250 : i32 to vector<16xi32>
      %parallel_loop3A_252 = arith.shrui %parallel_loop3A_249, %parallel_loop3A_251 : vector<16xi32>
      %parallel_loop3A_253 = arith.constant 127 : i32
      %parallel_loop3A_254 = vector.broadcast %parallel_loop3A_253 : i32 to vector<16xi32>
      %parallel_loop3A_255 = arith.andi %parallel_loop3A_249, %parallel_loop3A_254 : vector<16xi32>
      %parallel_loop3A_256 = arith.constant 0 : i32
      %parallel_loop3A_257 = vector.broadcast %parallel_loop3A_256 : i32 to vector<16xi32>
      %parallel_loop3A_258 = tpu.vector_load_idx %arg6[%parallel_loop3A_252, %parallel_loop3A_257, %parallel_loop3A_255] : memref<64x2x128xf32, #tpu.memory_space<vmem>>[vector<16xi32>, vector<16xi32>, vector<16xi32>], vector<16xf32>,
      %parallel_loop3A_259 = arith.constant 1 : i32
      %parallel_loop3A_260 = vector.broadcast %parallel_loop3A_259 : i32 to vector<16xi32>
      %parallel_loop3A_261 = tpu.vector_load_idx %arg6[%parallel_loop3A_252, %parallel_loop3A_260, %parallel_loop3A_255] : memref<64x2x128xf32, #tpu.memory_space<vmem>>[vector<16xi32>, vector<16xi32>, vector<16xi32>], vector<16xf32>,
      %parallel_loop3A_262 = arith.constant 96 : i32
      %parallel_loop3A_263 = arith.addi %parallel_loop3A_125, %parallel_loop3A_262 : i32
      %parallel_loop3A_264 = arith.index_cast %parallel_loop3A_263 : i32 to index
      %parallel_loop3A_265 = tpu.vector_load %arg5[%parallel_loop3A_264] {strides = array<i32>} : memref<16384xi32, #tpu.memory_space<vmem>>, vector<16xi32>,
      %parallel_loop3A_266 = arith.constant 7 : i32
      %parallel_loop3A_267 = vector.broadcast %parallel_loop3A_266 : i32 to vector<16xi32>
      %parallel_loop3A_268 = arith.shrui %parallel_loop3A_265, %parallel_loop3A_267 : vector<16xi32>
      %parallel_loop3A_269 = arith.constant 127 : i32
      %parallel_loop3A_270 = vector.broadcast %parallel_loop3A_269 : i32 to vector<16xi32>
      %parallel_loop3A_271 = arith.andi %parallel_loop3A_265, %parallel_loop3A_270 : vector<16xi32>
      %parallel_loop3A_272 = arith.constant 0 : i32
      %parallel_loop3A_273 = vector.broadcast %parallel_loop3A_272 : i32 to vector<16xi32>
      %parallel_loop3A_274 = tpu.vector_load_idx %arg6[%parallel_loop3A_268, %parallel_loop3A_273, %parallel_loop3A_271] : memref<64x2x128xf32, #tpu.memory_space<vmem>>[vector<16xi32>, vector<16xi32>, vector<16xi32>], vector<16xf32>,
      %parallel_loop3A_275 = arith.constant 1 : i32
      %parallel_loop3A_276 = vector.broadcast %parallel_loop3A_275 : i32 to vector<16xi32>
      %parallel_loop3A_277 = tpu.vector_load_idx %arg6[%parallel_loop3A_268, %parallel_loop3A_276, %parallel_loop3A_271] : memref<64x2x128xf32, #tpu.memory_space<vmem>>[vector<16xi32>, vector<16xi32>, vector<16xi32>], vector<16xf32>,
      %parallel_loop3A_278 = arith.constant 112 : i32
      %parallel_loop3A_279 = arith.addi %parallel_loop3A_125, %parallel_loop3A_278 : i32
      %parallel_loop3A_280 = arith.index_cast %parallel_loop3A_279 : i32 to index
      %parallel_loop3A_281 = tpu.vector_load %arg5[%parallel_loop3A_280] {strides = array<i32>} : memref<16384xi32, #tpu.memory_space<vmem>>, vector<16xi32>,
      %parallel_loop3A_282 = arith.constant 7 : i32
      %parallel_loop3A_283 = vector.broadcast %parallel_loop3A_282 : i32 to vector<16xi32>
      %parallel_loop3A_284 = arith.shrui %parallel_loop3A_281, %parallel_loop3A_283 : vector<16xi32>
      %parallel_loop3A_285 = arith.constant 127 : i32
      %parallel_loop3A_286 = vector.broadcast %parallel_loop3A_285 : i32 to vector<16xi32>
      %parallel_loop3A_287 = arith.andi %parallel_loop3A_281, %parallel_loop3A_286 : vector<16xi32>
      %parallel_loop3A_288 = arith.constant 0 : i32
      %parallel_loop3A_289 = vector.broadcast %parallel_loop3A_288 : i32 to vector<16xi32>
      %parallel_loop3A_290 = tpu.vector_load_idx %arg6[%parallel_loop3A_284, %parallel_loop3A_289, %parallel_loop3A_287] : memref<64x2x128xf32, #tpu.memory_space<vmem>>[vector<16xi32>, vector<16xi32>, vector<16xi32>], vector<16xf32>,
      %parallel_loop3A_291 = arith.constant 1 : i32
      %parallel_loop3A_292 = vector.broadcast %parallel_loop3A_291 : i32 to vector<16xi32>
      %parallel_loop3A_293 = tpu.vector_load_idx %arg6[%parallel_loop3A_284, %parallel_loop3A_292, %parallel_loop3A_287] : memref<64x2x128xf32, #tpu.memory_space<vmem>>[vector<16xi32>, vector<16xi32>, vector<16xi32>], vector<16xf32>,
      %parallel_loop3A_294 = arith.constant 0 : i32
      %parallel_loop3A_295 = arith.index_cast %parallel_loop3A_123 : i32 to index
      %parallel_loop3A_296 = arith.index_cast %parallel_loop3A_294 : i32 to index
      %parallel_loop3A_297 = arith.constant 64 : index
      %parallel_loop3A_298 = tpu.vector_load %arg7[%parallel_loop3A_295, %parallel_loop3A_296, %parallel_loop3A_297] {strides = array<i32>} : memref<128x2x128xf32, #tpu.memory_space<vmem>>, vector<16xf32>,
      tpu.vector_store %arg7[%parallel_loop3A_295, %parallel_loop3A_296, %parallel_loop3A_297], %parallel_loop3A_242 {strides = array<i32>} : memref<128x2x128xf32, #tpu.memory_space<vmem>>, vector<16xf32>,
      %parallel_loop3A_299 = arith.constant 1 : i32
      %parallel_loop3A_300 = arith.index_cast %parallel_loop3A_123 : i32 to index
      %parallel_loop3A_301 = arith.index_cast %parallel_loop3A_299 : i32 to index
      %parallel_loop3A_302 = arith.constant 64 : index
      %parallel_loop3A_303 = tpu.vector_load %arg7[%parallel_loop3A_300, %parallel_loop3A_301, %parallel_loop3A_302] {strides = array<i32>} : memref<128x2x128xf32, #tpu.memory_space<vmem>>, vector<16xf32>,
      tpu.vector_store %arg7[%parallel_loop3A_300, %parallel_loop3A_301, %parallel_loop3A_302], %parallel_loop3A_245 {strides = array<i32>} : memref<128x2x128xf32, #tpu.memory_space<vmem>>, vector<16xf32>,
      %parallel_loop3A_304 = arith.constant 0 : i32
      %parallel_loop3A_305 = arith.index_cast %parallel_loop3A_123 : i32 to index
      %parallel_loop3A_306 = arith.index_cast %parallel_loop3A_304 : i32 to index
      %parallel_loop3A_307 = arith.constant 80 : index
      %parallel_loop3A_308 = tpu.vector_load %arg7[%parallel_loop3A_305, %parallel_loop3A_306, %parallel_loop3A_307] {strides = array<i32>} : memref<128x2x128xf32, #tpu.memory_space<vmem>>, vector<16xf32>,
      tpu.vector_store %arg7[%parallel_loop3A_305, %parallel_loop3A_306, %parallel_loop3A_307], %parallel_loop3A_258 {strides = array<i32>} : memref<128x2x128xf32, #tpu.memory_space<vmem>>, vector<16xf32>,
      %parallel_loop3A_309 = arith.constant 1 : i32
      %parallel_loop3A_310 = arith.index_cast %parallel_loop3A_123 : i32 to index
      %parallel_loop3A_311 = arith.index_cast %parallel_loop3A_309 : i32 to index
      %parallel_loop3A_312 = arith.constant 80 : index
      %parallel_loop3A_313 = tpu.vector_load %arg7[%parallel_loop3A_310, %parallel_loop3A_311, %parallel_loop3A_312] {strides = array<i32>} : memref<128x2x128xf32, #tpu.memory_space<vmem>>, vector<16xf32>,
      tpu.vector_store %arg7[%parallel_loop3A_310, %parallel_loop3A_311, %parallel_loop3A_312], %parallel_loop3A_261 {strides = array<i32>} : memref<128x2x128xf32, #tpu.memory_space<vmem>>, vector<16xf32>,
      %parallel_loop3A_314 = arith.constant 0 : i32
      %parallel_loop3A_315 = arith.index_cast %parallel_loop3A_123 : i32 to index
      %parallel_loop3A_316 = arith.index_cast %parallel_loop3A_314 : i32 to index
      %parallel_loop3A_317 = arith.constant 96 : index
      %parallel_loop3A_318 = tpu.vector_load %arg7[%parallel_loop3A_315, %parallel_loop3A_316, %parallel_loop3A_317] {strides = array<i32>} : memref<128x2x128xf32, #tpu.memory_space<vmem>>, vector<16xf32>,
      tpu.vector_store %arg7[%parallel_loop3A_315, %parallel_loop3A_316, %parallel_loop3A_317], %parallel_loop3A_274 {strides = array<i32>} : memref<128x2x128xf32, #tpu.memory_space<vmem>>, vector<16xf32>,
      %parallel_loop3A_319 = arith.constant 1 : i32
      %parallel_loop3A_320 = arith.index_cast %parallel_loop3A_123 : i32 to index
      %parallel_loop3A_321 = arith.index_cast %parallel_loop3A_319 : i32 to index
      %parallel_loop3A_322 = arith.constant 96 : index
      %parallel_loop3A_323 = tpu.vector_load %arg7[%parallel_loop3A_320, %parallel_loop3A_321, %parallel_loop3A_322] {strides = array<i32>} : memref<128x2x128xf32, #tpu.memory_space<vmem>>, vector<16xf32>,
      tpu.vector_store %arg7[%parallel_loop3A_320, %parallel_loop3A_321, %parallel_loop3A_322], %parallel_loop3A_277 {strides = array<i32>} : memref<128x2x128xf32, #tpu.memory_space<vmem>>, vector<16xf32>,
      %parallel_loop3A_324 = arith.constant 0 : i32
      %parallel_loop3A_325 = arith.index_cast %parallel_loop3A_123 : i32 to index
      %parallel_loop3A_326 = arith.index_cast %parallel_loop3A_324 : i32 to index
      %parallel_loop3A_327 = arith.constant 112 : index
      %parallel_loop3A_328 = tpu.vector_load %arg7[%parallel_loop3A_325, %parallel_loop3A_326, %parallel_loop3A_327] {strides = array<i32>} : memref<128x2x128xf32, #tpu.memory_space<vmem>>, vector<16xf32>,
      tpu.vector_store %arg7[%parallel_loop3A_325, %parallel_loop3A_326, %parallel_loop3A_327], %parallel_loop3A_290 {strides = array<i32>} : memref<128x2x128xf32, #tpu.memory_space<vmem>>, vector<16xf32>,
      %parallel_loop3A_329 = arith.constant 1 : i32
      %parallel_loop3A_330 = arith.index_cast %parallel_loop3A_123 : i32 to index
      %parallel_loop3A_331 = arith.index_cast %parallel_loop3A_329 : i32 to index
      %parallel_loop3A_332 = arith.constant 112 : index
      %parallel_loop3A_333 = tpu.vector_load %arg7[%parallel_loop3A_330, %parallel_loop3A_331, %parallel_loop3A_332] {strides = array<i32>} : memref<128x2x128xf32, #tpu.memory_space<vmem>>, vector<16xf32>,
      tpu.vector_store %arg7[%parallel_loop3A_330, %parallel_loop3A_331, %parallel_loop3A_332], %parallel_loop3A_293 {strides = array<i32>} : memref<128x2x128xf32, #tpu.memory_space<vmem>>, vector<16xf32>,
    } {sc.loop_unroll_factor = 2 : i64, sc.parallel_access}
    %mul3A_73 = arith.constant 2 : i32
    %mul3A_74 = arith.muli %mul3A_73, %select_n3A_30 : i32
    %dma_start3A_75 = arith.constant 64 : i32
    %dma_start3A_76 = arith.constant 0 : i32
    %dma_start3A_77 = arith.constant 0 : i32
    %dma_start3A_78 = tpu.memref_slice %arg7[%dma_start3A_75, %dma_start3A_76, %dma_start3A_77] : memref<128x2x128xf32, #tpu.memory_space<vmem>> -> memref<64x2x128xf32, #tpu.memory_space<vmem>>
    %dma_start3A_79 = arith.constant 64 : i32
    %dma_start3A_80 = arith.constant 0 : i32
    %dma_start3A_81 = tpu.memref_slice %arg4[%select_n3A, %dma_start3A_79, %mul3A_74, %dma_start3A_80] : memref<8x128x8x128xf32, #tpu.memory_space<hbm>> -> memref<1x64x2x128xf32, #tpu.memory_space<hbm>>
    %dma_start3A_82 = tpu.memref_squeeze %dma_start3A_81 : memref<1x64x2x128xf32, #tpu.memory_space<hbm>> -> memref<64x2x128xf32, #tpu.memory_space<hbm>>
    %dma_start3A_83 = arith.constant 64 : i32
    %dma_start3A_84 = arith.constant 0 : i32
    %dma_start3A_85 = tpu.memref_slice %arg4[%select_n3A, %dma_start3A_83, %mul3A_74, %dma_start3A_84] : memref<8x128x8x128xf32, #tpu.memory_space<hbm>> -> memref<1x64x2x128xf32, #tpu.memory_space<hbm>>
    %dma_start3A_86 = tpu.memref_squeeze %dma_start3A_85 : memref<1x64x2x128xf32, #tpu.memory_space<hbm>> -> memref<64x2x128xf32, #tpu.memory_space<hbm>>
    %dma_start3A_87 = arith.constant 64 : i32
    %dma_start3A_88 = arith.constant 0 : i32
    %dma_start3A_89 = arith.constant 0 : i32
    %dma_start3A_90 = tpu.memref_slice %arg7[%dma_start3A_87, %dma_start3A_88, %dma_start3A_89] : memref<128x2x128xf32, #tpu.memory_space<vmem>> -> memref<64x2x128xf32, #tpu.memory_space<vmem>>
    tpu.enqueue_dma source(%dma_start3A_90 : memref<64x2x128xf32, #tpu.memory_space<vmem>>) target(%dma_start3A_86 : memref<64x2x128xf32, #tpu.memory_space<hbm>>) target_semaphore(%arg9 : memref<!tpu.dma_semaphore, #tpu.memory_space<semaphore_mem>>)
    %dma_wait3A_91 = arith.constant 0 : i32
    %dma_wait3A_92 = arith.constant 0 : i32
    %dma_wait3A_93 = arith.constant 0 : i32
    %dma_wait3A_94 = tpu.memref_slice %arg7[%dma_wait3A_91, %dma_wait3A_92, %dma_wait3A_93] : memref<128x2x128xf32, #tpu.memory_space<vmem>> -> memref<64x2x128xf32, #tpu.memory_space<vmem>>
    %dma_wait3A_95 = arith.constant 0 : i32
    %dma_wait3A_96 = arith.constant 0 : i32
    %dma_wait3A_97 = tpu.memref_slice %arg4[%select_n3A, %dma_wait3A_95, %mul3A_53, %dma_wait3A_96] : memref<8x128x8x128xf32, #tpu.memory_space<hbm>> -> memref<1x64x2x128xf32, #tpu.memory_space<hbm>>
    %dma_wait3A_98 = tpu.memref_squeeze %dma_wait3A_97 : memref<1x64x2x128xf32, #tpu.memory_space<hbm>> -> memref<64x2x128xf32, #tpu.memory_space<hbm>>
    %dma_wait3A_99 = arith.constant 0 : i32
    %dma_wait3A_100 = arith.constant 0 : i32
    %dma_wait3A_101 = tpu.memref_slice %arg4[%select_n3A, %dma_wait3A_99, %mul3A_53, %dma_wait3A_100] : memref<8x128x8x128xf32, #tpu.memory_space<hbm>> -> memref<1x64x2x128xf32, #tpu.memory_space<hbm>>
    %dma_wait3A_102 = tpu.memref_squeeze %dma_wait3A_101 : memref<1x64x2x128xf32, #tpu.memory_space<hbm>> -> memref<64x2x128xf32, #tpu.memory_space<hbm>>
    %dma_wait3A_103 = arith.constant 0 : i32
    %dma_wait3A_104 = arith.constant 0 : i32
    %dma_wait3A_105 = arith.constant 0 : i32
    %dma_wait3A_106 = tpu.memref_slice %arg7[%dma_wait3A_103, %dma_wait3A_104, %dma_wait3A_105] : memref<128x2x128xf32, #tpu.memory_space<vmem>> -> memref<64x2x128xf32, #tpu.memory_space<vmem>>
    tpu.wait_dma2 semaphore(%arg9 : memref<!tpu.dma_semaphore, #tpu.memory_space<semaphore_mem>>) src(%dma_wait3A_106 : memref<64x2x128xf32, #tpu.memory_space<vmem>>) dst(%dma_wait3A_102 : memref<64x2x128xf32, #tpu.memory_space<hbm>>)
    %dma_wait3A_107 = arith.constant 64 : i32
    %dma_wait3A_108 = arith.constant 0 : i32
    %dma_wait3A_109 = arith.constant 0 : i32
    %dma_wait3A_110 = tpu.memref_slice %arg7[%dma_wait3A_107, %dma_wait3A_108, %dma_wait3A_109] : memref<128x2x128xf32, #tpu.memory_space<vmem>> -> memref<64x2x128xf32, #tpu.memory_space<vmem>>
    %dma_wait3A_111 = arith.constant 64 : i32
    %dma_wait3A_112 = arith.constant 0 : i32
    %dma_wait3A_113 = tpu.memref_slice %arg4[%select_n3A, %dma_wait3A_111, %mul3A_74, %dma_wait3A_112] : memref<8x128x8x128xf32, #tpu.memory_space<hbm>> -> memref<1x64x2x128xf32, #tpu.memory_space<hbm>>
    %dma_wait3A_114 = tpu.memref_squeeze %dma_wait3A_113 : memref<1x64x2x128xf32, #tpu.memory_space<hbm>> -> memref<64x2x128xf32, #tpu.memory_space<hbm>>
    %dma_wait3A_115 = arith.constant 64 : i32
    %dma_wait3A_116 = arith.constant 0 : i32
    %dma_wait3A_117 = tpu.memref_slice %arg4[%select_n3A, %dma_wait3A_115, %mul3A_74, %dma_wait3A_116] : memref<8x128x8x128xf32, #tpu.memory_space<hbm>> -> memref<1x64x2x128xf32, #tpu.memory_space<hbm>>
    %dma_wait3A_118 = tpu.memref_squeeze %dma_wait3A_117 : memref<1x64x2x128xf32, #tpu.memory_space<hbm>> -> memref<64x2x128xf32, #tpu.memory_space<hbm>>
    %dma_wait3A_119 = arith.constant 64 : i32
    %dma_wait3A_120 = arith.constant 0 : i32
    %dma_wait3A_121 = arith.constant 0 : i32
    %dma_wait3A_122 = tpu.memref_slice %arg7[%dma_wait3A_119, %dma_wait3A_120, %dma_wait3A_121] : memref<128x2x128xf32, #tpu.memory_space<vmem>> -> memref<64x2x128xf32, #tpu.memory_space<vmem>>
    tpu.wait_dma2 semaphore(%arg9 : memref<!tpu.dma_semaphore, #tpu.memory_space<semaphore_mem>>) src(%dma_wait3A_122 : memref<64x2x128xf32, #tpu.memory_space<vmem>>) dst(%dma_wait3A_118 : memref<64x2x128xf32, #tpu.memory_space<hbm>>)
    return
  }
}

</mosaic_0001>

<sc_bundles>
// kernel: kernel.3.cloned.1.call-start
scs
__scs_entry_jumppad:
0x0: {  	(pc) =	sbr.rel $0x88, $3  }
0x1: {  	(tag) =	ssettag $0x0;
	lr =	simm.s32 $0x1  }
0x2: {  	[smem:$0x3F9F] =	sst lr;
	_ =	strace $0xD0000000  }
0x3: {  	_ = 	snop  }
0x4: {  	_ = 	snop  }
0x5: {  	_ = 	snop  }
0x6: {  	_ = 	snop  }
0x7: {  	_ = 	snop  }
__scs_overlays_trampoline_lowered:
0x8: {  	[smem:$0x3FAE] =	sst s0  }
0x9: {  	[smem:$0x3FAF] =	sst s1  }
0xa: {  	[smem:$0x3FB0] =	sst s2  }
0xb: {  	[smem:$0x3FB1] =	sst s3  }
0xc: {  	[smem:$0x3FB2] =	sst s4  }
0xd: {  	[smem:$0x3FB3] =	sst s5  }
0xe: {  	[smem:$0x3FB4] =	sst s6  }
0xf: {  	[smem:$0x3FB5] =	sst s7  }
0x10: {  	[smem:$0x3FB6] =	sst s8  }
0x11: {  	[smem:$0x3FB7] =	sst s9;
	s0 =	simm.s32 @!p0 $0x0  }
0x12: {  	s1 =	sld [smem:$0x3F9D];
	s0 =	simm.s32 @p0 $0x1  }
0x13: {  	[smem:$0x3FB8] =	sst s0;
	s0 =	simm.s32 @!p1 $0x0  }
0x14: {  	s2 =	sld [smem:$0x3F9C];
	s0 =	simm.s32 @p1 $0x1  }
0x15: {  	[smem:$0x3FB9] =	sst s0;
	s0 =	simm.s32 @!p2 $0x0  }
0x16: {  	s3 =	sld [smem:$0x3FDB];
	s0 =	simm.s32 @p2 $0x1  }
0x17: {  	s4 =	simm.s32 $0x1BF5;
	[smem:$0x3FBB] =	sst s0  }
0x18: {  	s0 =	sld [smem:$0x3F9E];
	_ =	swait.ge [sflag:s4], $0x0  }
0x19: {  	s7 =	sld [smem:$0x3F9F]  }
0x1a: {  	s8 =	sadd.s32 $0xFFFFE003, lr  }
0x1b: {  	s9 =	sadd.s32 $0xFFFFFEF7, lr;
	s5 =	simm.s32 $0xFFFFFFFF;
	p2 =	slt.u32 s8, $0xFFFFF086  }
0x1c: {  	p1 =	slt.u32 s9, $0xF7A;
	s5 =	simm.s32 @!p2 $0x0  }
0x1d: {  	s5 =	simm.s32 @p1 $0x1;
	p0 =	seq.s32 s7, s2  }
0x1e: {  	s7 =	smul.u32 @!p0 $0xF7A, s2;
	p2 =	seq.s32 @!p0 s5, $0x0  }
0x1f: {  	s9 =	smul.u32 $0xF7A, s1;
	s8 =	simm.s32 @!p0 $0x1BF5;
	p2 =	por !p2, p0  }
0x20: {  	[sflag:s8] =	ssyncset.s32 @!p0 $0xFFFFF086;
	s6 =	sadd.s32 @!p0 s3, s7;
	s7 =	simm.s32 @!p0 $0x108  }
0x21: {  	s3 =	sadd.s32 s3, s9;
	s6 =	sadd.s32 @!p0 $0x88, s6;
	s7 =	simm.s32 @p2 $0x1082  }
0x22: {  	[simem:s7], [sflag:s8] =	dma.local @!p0 [hbm:s6], $0xF7A  }
0x23: {  	s9 =	sor.u32 $0xD0000000, s2;
	s6 =	simm.s32 $0x108;
	_ =	swait.ge @!p0 [sflag:s8], $0x0  }
0x24: {  	s3 =	sadd.s32 $0x88, s3;
	s6 =	simm.s32 @!p1 $0x1082;
	[sflag:s4] =	ssyncset.s32 $0xFFFFF086  }
0x25: {  	[simem:s6], [sflag:s4] =	dma.local [hbm:s3], $0xF7A  }
0x26: {  	[smem:$0x3F9F] =	sst s1;
	(tag) =	ssettag s2;
	_ =	strace s9  }
0x27: {  	s1 =	sld [smem:$0x3FAF]  }
0x28: {  	s2 =	sld [smem:$0x3FB0]  }
0x29: {  	s4 =	sld [smem:$0x3FB2]  }
0x2a: {  	p0 =	seq.s32 s5, $0x0;
	s5 =	sld [smem:$0x3FB3]  }
0x2b: {  	s6 =	sld [smem:$0x3FB4]  }
0x2c: {  	s7 =	sld [smem:$0x3FB5]  }
0x2d: {  	s3 =	simm.s32 $0x108;
	s8 =	sld [smem:$0x3FB6]  }
0x2e: {  	s3 =	simm.s32 @!p0 $0x1082;
	s9 =	sld [smem:$0x3FB7]  }
0x2f: {  	lr =	sadd.s32 s0, s3;
	s0 =	sld [smem:$0x3FAE]  }
0x30: {  	s3 =	sld [smem:$0x3FB1]  }
0x31: {  	[smem:$0x3FBA] =	sst s10  }
0x32: {  	s10 =	sld [smem:$0x3FB8];
	_ =	sdelay $0x3  }
0x33: {  	p0 =	seq.s32 s10, $0x1;
	s10 =	sld [smem:$0x3FBA];
	_ =	sdelay $0x3  }
0x34: {  	[smem:$0x3FBA] =	sst s10  }
0x35: {  	s10 =	sld [smem:$0x3FB9];
	_ =	sdelay $0x3  }
0x36: {  	p1 =	seq.s32 s10, $0x1;
	s10 =	sld [smem:$0x3FBA];
	_ =	sdelay $0x3  }
0x37: {  	[smem:$0x3FBA] =	sst s10  }
0x38: {  	s10 =	sld [smem:$0x3FBB]  }
0x39: {  	_ = 	snop;
	(pc) =	sbr.ind lr, $3  }
0x3a: {  	_ = 	snop  }
0x3b: {  	_ = 	snop  }
0x3c: {  	p2 =	seq.s32 s10, $0x1;
	s10 =	sld [smem:$0x3FBA]  }
0x3d: {  	_ =	shalt  }
0x3e: {  	_ =	shalt  }
0x3f: {  	_ =	shalt  }
0x40: {  	_ =	shalt  }
0x41: {  	_ =	shalt  }
0x42: {  	_ =	shalt  }
0x43: {  	_ =	shalt  }
0x44: {  	_ =	shalt  }
0x45: {  	_ =	shalt  }
0x46: {  	_ =	shalt  }
0x47: {  	_ =	shalt  }
0x48: {  	_ =	shalt  }
0x49: {  	_ =	shalt  }
0x4a: {  	_ =	shalt  }
0x4b: {  	_ =	shalt  }
0x4c: {  	_ =	shalt  }
0x4d: {  	_ =	shalt  }
0x4e: {  	_ =	shalt  }
0x4f: {  	_ =	shalt  }
0x50: {  	_ =	shalt  }
0x51: {  	_ =	shalt  }
0x52: {  	_ =	shalt  }
0x53: {  	_ =	shalt  }
0x54: {  	_ =	shalt  }
0x55: {  	_ =	shalt  }
0x56: {  	_ =	shalt  }
0x57: {  	_ =	shalt  }
0x58: {  	_ =	shalt  }
0x59: {  	_ =	shalt  }
0x5a: {  	_ =	shalt  }
0x5b: {  	_ =	shalt  }
0x5c: {  	_ =	shalt  }
0x5d: {  	_ =	shalt  }
0x5e: {  	_ =	shalt  }
0x5f: {  	_ =	shalt  }
0x60: {  	_ =	shalt  }
0x61: {  	_ =	shalt  }
0x62: {  	_ =	shalt  }
0x63: {  	_ =	shalt  }
0x64: {  	_ =	shalt  }
0x65: {  	_ =	shalt  }
0x66: {  	_ =	shalt  }
0x67: {  	_ =	shalt  }
0x68: {  	_ =	shalt  }
0x69: {  	_ =	shalt  }
0x6a: {  	_ =	shalt  }
0x6b: {  	_ =	shalt  }
0x6c: {  	_ =	shalt  }
0x6d: {  	_ =	shalt  }
0x6e: {  	_ =	shalt  }
0x6f: {  	_ =	shalt  }
0x70: {  	_ =	shalt  }
0x71: {  	_ =	shalt  }
0x72: {  	_ =	shalt  }
0x73: {  	_ =	shalt  }
0x74: {  	_ =	shalt  }
0x75: {  	_ =	shalt  }
0x76: {  	_ =	shalt  }
0x77: {  	_ =	shalt  }
0x78: {  	_ =	shalt  }
0x79: {  	_ =	shalt  }
0x7a: {  	_ =	shalt  }
0x7b: {  	_ =	shalt  }
0x7c: {  	_ =	shalt  }
0x7d: {  	_ =	shalt  }
0x7e: {  	_ =	shalt  }
0x7f: {  	_ =	shalt  }
0x80: {  	_ =	shalt  }
0x81: {  	_ =	shalt  }
0x82: {  	_ =	shalt  }
0x83: {  	_ =	shalt  }
0x84: {  	_ =	shalt  }
0x85: {  	_ =	shalt  }
0x86: {  	_ =	shalt  }
0x87: {  	_ =	shalt  }
.Lfunc_end0:
.L_simem_size_0:
called_computation_lowered:
.L_overlay_start_0:
0x88: {  	s2 =	sld [smem:$0x3FD9]  }
0x89: {  	s3 =	sld [smem:$0x3FFE];
	_ =	sdelay $0x1  }
0x8a: {  	s1 =	srdreg.scid  }
0x8b: {  	s0 =	sand.u32 $0x1, s1  }
0x8c: {  	s18 =	sshll.u32 s0, $0xA;
	s2 =	sadd.s32 s3, s2  }
0x8d: {  	s2 =	sadd.s32 s2, s18  }
0x8e: {  	[smem:$0x3FC6] =	sst s2  }
0x8f: {  	_ = 	snop  }
0x90: {  	s2 =	sld [smem:$0x3FC9]  }
0x91: {  	s19 =	sld [smem:$0x3FC8]  }
0x92: {  	s4 =	sld [smem:$0x3FD0];
	(tm) =	ssettm $0x1  }
0x93: {  	s5 =	sld [smem:$0x3FFB];
	_ =	sdelay $0x3  }
0x94: {  	_ =	strace s5  }
0x95: {  	s5 =	sld [smem:$0x3FFC];
	_ =	sdelay $0x3  }
0x96: {  	_ =	strace s5  }
0x97: {  	s5 =	sld [smem:$0x3FFD];
	_ =	sdelay $0x3  }
0x98: {  	_ =	strace s5  }
0x99: {  	_ =	strace $0x8FFFFFFF  }
0x9a: {  	s20 =	sld [smem:$0x3FDB];
	_ =	sdelay $0x1  }
0x9b: {  	s6 =	simm.s32 $_scs_section_size  }
0x9c: {  	s7 =	simm.s32 $_size__tile_overlayer_lowered;
	s8 =	simm.s32 $_tile_overlayer_lowered  }
0x9d: {  	s23 =	simm.s32 $0x1BFF;
	s22 =	sshll.u32 s8, $0x1;
	s5 =	sadd.s32 s6, s20  }
0x9e: {  	s9 =	simm.s32 $0x0;
	s21 =	sshll.u32 s7, $0x1;
	s7 =	sadd.s32 s22, s5  }
0x9f: {  	[timem:s9], [sflag:s23] =	dma.local [hbm:s7], s21  }
0xa0: {  	_ =	swait.ge [sflag:s23], s21  }
0xa1: {  	s6 =	ssub.s32 $0x0, s21;
	[sflag:s23] =	ssyncset.done $0x0  }
0xa2: {  	[sflag:s23] =	ssyncadd.s32 s6;
	_ =	sdelay $0x1  }
0xa3: {  	s24 =	simm.s32 $0x1B8B  }
0xa4: {  	_ =	swait.ge [sflag:s24], $0x1  }
0xa5: {  	[sflag:s24] =	ssyncset.done $0x0  }
0xa6: {  	s25 =	simm.s32 $0x1B8E;
	[sflag:s24] =	ssyncadd.s32 $0xFFFFFFFF  }
0xa7: {  	s26 =	simm.s32 $execute0_lowered;
	[smem:$0x3FD2] =	sst s25  }
0xa8: {  	s6 =	sshll.u32 s26, $0x1;
	_ =	strace $0x80000046;
	[dreg:$0x1] =	wrdreg $0xFFFFFFFF  }
0xa9: {  	s28 =	simm.s32 $_size_execute0_lowered;
	s5 =	sadd.s32 s5, s6;
	[dreg:$0x0] =	wrdreg $0x0  }
0xaa: {  	s6 =	sshll.u32 s28, $0x1;
	[dreg:$0x2] =	wrdreg s5  }
0xab: {  	[dreg:$0x3] =	wrdreg s6  }
0xac: {  	[dreg:$0x4] =	wrdreg $0xC0  }
0xad: {  	_ =	task [dreg:s9], $0x5FFFF  }
0xae: {  	[dreg:$0x1] =	wrdreg $0xFFFFFFFF  }
0xaf: {  	[dreg:$0x0] =	wrdreg $0x60  }
0xb0: {  	[dreg:$0x2] =	wrdreg s2  }
0xb1: {  	[dreg:$0x3] =	wrdreg s19  }
0xb2: {  	[dreg:$0x4] =	wrdreg s4  }
0xb3: {  	[dreg:$0x5] =	wrdreg $0x100000  }
0xb4: {  	[dreg:$0x6] =	wrdreg $0x9  }
0xb5: {  	_ =	task.clear_ibuf [dreg:s9], $0x7FFFF;
	_ =	strace $0x90000046  }
0xb6: {  	s29 =	simm.s32 $0x9;
	_ =	strace $0x80000048  }
0xb7: {  	_ =	swait.ge [sflag:s29], $0x1  }
0xb8: {  	[sflag:s29] =	ssyncadd.s32 $0xFFFFFFFF  }
0xb9: {  	_ =	strace $0x90000048  }
0xba: {  	_ =	sfence  }
0xbb: {  	s30 =	sld [smem:$0x0];
	_ =	sdelay $0x2  }
0xbc: {  	s31 =	sshll.u32 s1, $0xD;
	s1 =	sshrl.u32 s1, $0x2  }
0xbd: {  	s3 =	sand.u32 $0x4000, s31;
	s1 =	sadd.s32 s1, s30  }
0xbe: {  	s0 =	sor.u32 s3, s0;
	s1 =	sshll.u32 s1, $0x11  }
0xbf: {  	s0 =	sor.u32 s1, s0  }
0xc0: {  	s0 =	sadd.s32 $0x8F2B, s0  }
0xc1: {  	[sflag:s0] =	ssyncadd.remote.s32 $0x1  }
0xc2: {  	_ =	sfence.sel $0xFFFF  }
0xc3: {  	[dreg:$0x0] =	wrdreg $0xFFFFFFFF;
	(pc) =	sbr.abs _section_cstart, $3  }
0xc4: {  	[dreg:$0x1] =	wrdreg $0xFFFFFFFF  }
0xc5: {  	_ =	task.clear_ibuf [dreg:s9], $0x2FFFF;
	_ =	strace $0x9FFFFFFF  }
0xc6: {  	(tm) =	ssettm $0x7FFFFFFF  }
0xc7: {  	_ =	shalt  }
tec
execute0_lowered:
.L_overlay_start_1:
0x0: {  	(tag) =	ssettag $0x1  }
0x1: {  	s1 =	rddreg [dreg:$0x0]  }
0x2: {  	s5 =	rddreg [dreg:$0x1]  }
0x3: {  	s4 =	rddreg [dreg:$0x2]  }
0x4: {  	s2 =	rddreg [dreg:$0x3];
	s8 =	stileid.u32  }
0x5: {  	s0 =	rddreg [dreg:$0x4];
	s6 =	srdreg.scid;
	s3 =	simm.s32 $0x0  }
0x6: {  	s12 =	simm.s32 $0x1;
	s13 =	simm.s32 $0x8000;
	s14 =	simm.s32 $0xC000  }
0x7: {  	s15 =	simm.s32 $0x0;
	s7 =	sshll.u32 s8, $0x1;
	s6 =	sand.u32 $0x1, s6  }
0x8: {  	[smem:$0x7FF] =	sst s3;
	s9 =	sshrl.u32 s8, $0x1;
	p0 =	sne.s32 s8, $0x0  }
0x9: {  	s8 =	simm.s32 $0x100;
	s7 =	sand.u32 $0x2, s7;
	_ =	strace $0x80000047  }
0xa: {  	s10 =	sshll.u32 s9, $0x11;
	s7 =	sor.u32 s6, s7;
	s6 =	ssub.s32 $0x2, s6  }
0xb: {  	s9 =	sshll.u32 s9, $0x10;
	s7 =	sshll.u32 s7, $0x8;
	s11 =	sshrl.u32 s6, $0x1  }
0xc: {  	s10 =	sor.u32 s10, s7;
	s7 =	sor.u32 s9, s7;
	s30 =	ssub.s32 s6, s11  }
0xd: {  	s9 =	simm.s32 $0x400;
	s11 =	sshrl.u32 @!p0 s2, $0x3;
	s29 =	sshrl.u32 s10, $0x3  }
0xe: {  	s31 =	sshrl.u32 s7, $0x3;
	s7 =	smax.u32 s30, $0x1;
	s4 =	sadd.s32 s4, s29  }
0xf: {  	s10 =	simm.s32 $0x4000;
	s5 =	sadd.s32 s5, s31;
	s6 =	sadd.s32 $0x2000, s4  }
.LBB2_1:
0x10: {  	[tilespmem:s10], [sflag:$0x1] =	stream.strided.gather [hbm4b:s5+s8], $0x4000, s9, s8, $0x38;
	[tilespmem:$0x10400] =	vst v63  }
0x11: {  	s16 =	simm.s32 @!p0 $0x1C02  }
0x12: {  	[spmem:s11], [sflag:s16] =	dma.local @!p0 [hbm:s1], $0x800  }
0x13: {  	s16 =	simm.s32 @!p0 $0x2  }
0x14: {  	_ =	swait.ge @!p0 [sflag:s16], $0x800  }
0x15: {  	[sflag:s16] =	ssyncset.done @!p0 $0x0  }
0x16: {  	[sflag:s16] =	ssyncadd.s32 @!p0 $0xFFFFF800  }
0x17: {  	[bflag:$0x0] =	sbarrier.arrive $0xFFFF  }
0x18: {  	[tilespmem:s3], [sflag:$0x1] =	stream.linear.gather [spmem:s2], $0x4000, $0x38;
	[tilespmem:$0x10400] =	vst v63  }
0x19: {  	_ =	swait.ge [sflag:s12], $0x4000  }
0x1a: {  	[sflag:s12] =	ssyncset.done $0x0  }
0x1b: {  	[sflag:s12] =	ssyncadd.s32 $0xFFFFC000  }
0x1c: {  	_ =	swait.ge [sflag:s12], $0x4000  }
0x1d: {  	[sflag:s12] =	ssyncset.done $0x0  }
0x1e: {  	s18 =	simm.s32 $0x80;
	[sflag:s12] =	ssyncadd.s32 $0xFFFFC000  }
0x1f: {  	v0 =	vld [tilespmem:s18+$0x0]  }
0x20: {  	v1 =	vld [tilespmem:s18+$0x10]  }
0x21: {  	v2 =	vld [tilespmem:s18+$0x20];
	_ =	sdelay $0x2  }
0x22: {  	v3 =	vld [tilespmem:s18+$0x30]  }
0x23: {  	v4 =	vshll.u32 v0, $0x1;
	v0 =	vand.u32 $0x7F, v0;
	v5 =	vand.u32 $0x7F, v1  }
0x24: {  	v1 =	vshll.u32 v1, $0x1;
	v6 =	vand.u32 $0x7F, v2;
	v4 =	vand.u32 $0xFFFFFF00, v4  }
0x25: {  	v2 =	vshll.u32 v2, $0x1;
	v1 =	vand.u32 $0xFFFFFF00, v1;
	v0 =	vor.u32 v4, v0  }
0x26: {  	v7 =	vld [tilespmem:s18+$0xFFFFFF80];
	v2 =	vand.u32 $0xFFFFFF00, v2;
	v1 =	vor.u32 v1, v5  }
0x27: {  	v4 =	vld [tilespmem:s18+$0xFFFFFF90];
	v5 =	vshll.u32 v3, $0x1;
	v2 =	vor.u32 v2, v6  }
0x28: {  	v3 =	vand.u32 $0x7F, v3;
	v6 =	vld [tilespmem:s18+$0xFFFFFFA0];
	v5 =	vand.u32 $0xFFFFFF00, v5;
	v8 =	vor.u32 $0x80, v0  }
0x29: {  	v9 =	vor.u32 $0x80, v1;
	v3 =	vor.u32 v5, v3;
	v5 =	vld [tilespmem:s18+$0xFFFFFFB0]  }
0x2a: {  	v10 =	vor.u32 $0x80, v2;
	v0 =	vld.idx.msk [tilespmem:v0+s10+$0x0], $0xffff  }
0x2b: {  	v12 =	vshll.u32 v7, $0x1;
	v1 =	vld.idx.msk [tilespmem:v1+s10+$0x0], $0xffff  }
0x2c: {  	v7 =	vand.u32 $0x7F, v7;
	v12 =	vand.u32 $0xFFFFFF00, v12;
	v13 =	vor.u32 $0x80, v3;
	v2 =	vld.idx.msk [tilespmem:v2+s10+$0x0], $0xffff  }
0x2d: {  	v7 =	vor.u32 v12, v7;
	v11 =	vshll.u32 v4, $0x1;
	v8 =	vld.idx.msk [tilespmem:v8+s10+$0x0], $0xffff  }
0x2e: {  	v14 =	vshll.u32 v6, $0x1;
	v4 =	vand.u32 $0x7F, v4;
	v11 =	vand.u32 $0xFFFFFF00, v11;
	v9 =	vld.idx.msk [tilespmem:v9+s10+$0x0], $0xffff  }
0x2f: {  	v6 =	vand.u32 $0x7F, v6;
	v14 =	vand.u32 $0xFFFFFF00, v14;
	v10 =	vld.idx.msk [tilespmem:v10+s10+$0x0], $0xffff;
	v4 =	vor.u32 v11, v4  }
0x30: {  	s16 =	simm.s32 $0x8100;
	v3 =	vld.idx.msk [tilespmem:v3+s10+$0x0], $0xffff;
	v12 =	vshll.u32 v5, $0x1;
	v6 =	vor.u32 v14, v6  }
0x31: {  	v11 =	vand.u32 $0xFFFFFF00, v12;
	v12 =	vor.u32 $0x80, v7;
	v13 =	vld.idx.msk [tilespmem:v13+s10+$0x0], $0xffff;
	[tilespmem:s16+$0x0] =	vst v0  }
0x32: {  	v5 =	vand.u32 $0x7F, v5;
	v14 =	vor.u32 $0x80, v4;
	[tilespmem:s16+$0x10] =	vst v1  }
0x33: {  	v7 =	vld.idx.msk [tilespmem:v7+s10+$0x0], $0xffff;
	v5 =	vor.u32 v11, v5;
	v11 =	vor.u32 $0x80, v6;
	[tilespmem:s16+$0x20] =	vst v2  }
0x34: {  	[tilespmem:s16+$0x80] =	vst v8;
	v1 =	vld.idx.msk [tilespmem:v4+s10+$0x0], $0xffff  }
0x35: {  	[tilespmem:s16+$0x90] =	vst v9;
	v6 =	vld.idx.msk [tilespmem:v6+s10+$0x0], $0xffff  }
0x36: {  	[tilespmem:s16+$0xA0] =	vst v10;
	v2 =	vld.idx.msk [tilespmem:v12+s10+$0x0], $0xffff  }
0x37: {  	v0 =	vor.u32 $0x80, v5;
	[tilespmem:s16+$0x30] =	vst v3;
	v3 =	vld.idx.msk [tilespmem:v14+s10+$0x0], $0xffff  }
0x38: {  	[tilespmem:s16+$0xB0] =	vst v13;
	v4 =	vld.idx.msk [tilespmem:v11+s10+$0x0], $0xffff  }
0x39: {  	v8 =	vld [tilespmem:s18+$0x40]  }
0x3a: {  	v10 =	vld [tilespmem:s18+$0x70]  }
0x3b: {  	v5 =	vld.idx.msk [tilespmem:v5+s10+$0x0], $0xffff  }
0x3c: {  	s17 =	simm.s32 $0x180;
	v0 =	vld.idx.msk [tilespmem:v0+s10+$0x0], $0xffff;
	[tilespmem:s16+$0xFFFFFF00] =	vst v7  }
0x3d: {  	v11 =	vld [tilespmem:s17+$0x20];
	[tilespmem:s16+$0xFFFFFF10] =	vst v1  }
0x3e: {  	v16 =	vld [tilespmem:s17+$0xFFFFFFA0];
	[tilespmem:s16+$0xFFFFFF20] =	vst v6  }
0x3f: {  	v18 =	vld [tilespmem:s17+$0xFFFFFFB0];
	[tilespmem:s16+$0xFFFFFF80] =	vst v2  }
0x40: {  	v12 =	vld [tilespmem:s17+$0x30];
	[tilespmem:s16+$0xFFFFFF90] =	vst v3  }
0x41: {  	v9 =	vld [tilespmem:s18+$0x50];
	[tilespmem:s16+$0xFFFFFFA0] =	vst v4  }
0x42: {  	v2 =	vld [tilespmem:s18+$0x60];
	v3 =	vshll.u32 v8, $0x1;
	v7 =	vshll.u32 v10, $0x1;
	[tilespmem:s16+$0xFFFFFF30] =	vst v5;
	v17 =	vand.u32 $0x7F, v11  }
0x43: {  	v13 =	vld [tilespmem:s17+$0xFFFFFF90];
	[tilespmem:s16+$0xFFFFFFB0] =	vst v0;
	v1 =	vand.u32 $0xFFFFFF00, v3;
	v3 =	vand.u32 $0xFFFFFF00, v7;
	v7 =	vand.u32 $0x7F, v10  }
0x44: {  	v11 =	vshll.u32 v11, $0x1;
	v0 =	vand.u32 $0x7F, v8;
	v3 =	vor.u32 v3, v7;
	v7 =	vld [tilespmem:s18+$0xFFFFFFC0]  }
0x45: {  	v11 =	vand.u32 $0xFFFFFF00, v11;
	v0 =	vor.u32 v1, v0;
	v19 =	vld [tilespmem:s18+$0xFFFFFFD0]  }
0x46: {  	v4 =	vand.u32 $0x7F, v9;
	v1 =	vshll.u32 v9, $0x1;
	v11 =	vor.u32 v11, v17;
	v52 =	vld [tilespmem:s18+$0xFFFFFFE0]  }
0x47: {  	v20 =	vld [tilespmem:s18+$0xFFFFFFF0];
	v1 =	vand.u32 $0xFFFFFF00, v1;
	v6 =	vor.u32 $0x80, v3;
	v5 =	vshll.u32 v2, $0x1  }
0x48: {  	v1 =	vor.u32 v1, v4;
	v2 =	vand.u32 $0x7F, v2;
	v4 =	vand.u32 $0xFFFFFF00, v5;
	v5 =	vld [tilespmem:s17+$0x0]  }
0x49: {  	v2 =	vor.u32 v4, v2;
	v4 =	vld [tilespmem:s17+$0x10]  }
0x4a: {  	v23 =	vor.u32 $0x80, v11;
	v8 =	vld.idx.msk [tilespmem:v0+s10+$0x0], $0xffff  }
0x4b: {  	v3 =	vld.idx.msk [tilespmem:v3+s10+$0x0], $0xffff  }
0x4c: {  	v11 =	vld.idx.msk [tilespmem:v11+s10+$0x0], $0xffff  }
0x4d: {  	v9 =	vor.u32 $0x80, v1;
	v0 =	vor.u32 $0x80, v0;
	v6 =	vld.idx.msk [tilespmem:v6+s10+$0x0], $0xffff  }
0x4e: {  	v14 =	vshll.u32 v5, $0x1;
	v5 =	vand.u32 $0x7F, v5;
	v10 =	vld.idx.msk [tilespmem:v2+s10+$0x0], $0xffff;
	v2 =	vor.u32 $0x80, v2  }
0x4f: {  	v54 =	vld.idx.msk [tilespmem:v23+s10+$0x0], $0xffff;
	v15 =	vand.u32 $0x7F, v4;
	v14 =	vand.u32 $0xFFFFFF00, v14;
	v4 =	vshll.u32 v4, $0x1  }
0x50: {  	v5 =	vor.u32 v14, v5;
	v4 =	vand.u32 $0xFFFFFF00, v4;
	v14 =	vld [tilespmem:s17+$0xFFFFFF80]  }
0x51: {  	v1 =	vld.idx.msk [tilespmem:v1+s10+$0x0], $0xffff;
	v4 =	vor.u32 v4, v15;
	v15 =	vshll.u32 v12, $0x1  }
0x52: {  	v9 =	vld.idx.msk [tilespmem:v9+s10+$0x0], $0xffff;
	v12 =	vand.u32 $0x7F, v12;
	v21 =	vor.u32 $0x80, v5;
	v15 =	vand.u32 $0xFFFFFF00, v15  }
0x53: {  	v0 =	vld.idx.msk [tilespmem:v0+s10+$0x0], $0xffff;
	v12 =	vor.u32 v15, v12;
	v15 =	vshll.u32 v7, $0x1  }
0x54: {  	v22 =	vor.u32 $0x80, v4;
	v7 =	vand.u32 $0x7F, v7;
	v2 =	vld.idx.msk [tilespmem:v2+s10+$0x0], $0xffff;
	v15 =	vand.u32 $0xFFFFFF00, v15  }
0x55: {  	v24 =	vor.u32 $0x80, v12;
	v5 =	vld.idx.msk [tilespmem:v5+s10+$0x0], $0xffff;
	v7 =	vor.u32 v15, v7;
	v15 =	vshll.u32 v14, $0x1  }
0x56: {  	[tilespmem:s16+$0xF0] =	vst v6;
	v14 =	vand.u32 $0x7F, v14;
	v4 =	vld.idx.msk [tilespmem:v4+s10+$0x0], $0xffff;
	v15 =	vand.u32 $0xFFFFFF00, v15  }
0x57: {  	[tilespmem:s16+$0x40] =	vst v8;
	v21 =	vld.idx.msk [tilespmem:v21+s10+$0x0], $0xffff;
	v14 =	vor.u32 v15, v14;
	v15 =	vshll.u32 v13, $0x1  }
0x58: {  	[tilespmem:s16+$0x50] =	vst v1;
	v13 =	vand.u32 $0x7F, v13;
	v12 =	vld.idx.msk [tilespmem:v12+s10+$0x0], $0xffff;
	v15 =	vand.u32 $0xFFFFFF00, v15  }
0x59: {  	s18 =	simm.s32 $0x8300;
	[tilespmem:s16+$0x60] =	vst v10;
	v25 =	vor.u32 $0x80, v7;
	v8 =	vor.u32 v15, v13;
	v15 =	vld.idx.msk [tilespmem:v22+s10+$0x0], $0xffff  }
0x5a: {  	v55 =	vld.idx.msk [tilespmem:v24+s10+$0x0], $0xffff;
	[tilespmem:s18+$0x20] =	vst v11  }
0x5b: {  	v53 =	vor.u32 $0x80, v14;
	[tilespmem:s18+$0xA0] =	vst v54  }
0x5c: {  	v6 =	vshll.u32 v16, $0x1;
	v13 =	vshll.u32 v18, $0x1;
	[tilespmem:s18+$0x0] =	vst v5  }
0x5d: {  	v6 =	vand.u32 $0xFFFFFF00, v6;
	v1 =	vand.u32 $0xFFFFFF00, v13;
	v13 =	vand.u32 $0x7F, v16;
	[tilespmem:s18+$0x10] =	vst v4  }
0x5e: {  	v10 =	vand.u32 $0x7F, v18;
	v6 =	vor.u32 v6, v13;
	v13 =	vor.u32 $0x80, v8;
	v56 =	vld.idx.msk [tilespmem:v25+s10+$0x0], $0xffff;
	[tilespmem:s18+$0x80] =	vst v21  }
0x5f: {  	v1 =	vor.u32 v1, v10;
	v10 =	vld.idx.msk [tilespmem:v14+s10+$0x0], $0xffff;
	[tilespmem:s18+$0x30] =	vst v12  }
0x60: {  	v5 =	vor.u32 $0x80, v6;
	v11 =	vld.idx.msk [tilespmem:v53+s10+$0x0], $0xffff;
	[tilespmem:s18+$0x90] =	vst v15  }
0x61: {  	v4 =	vor.u32 $0x80, v1;
	v8 =	vld.idx.msk [tilespmem:v8+s10+$0x0], $0xffff;
	[tilespmem:s18+$0xB0] =	vst v55  }
0x62: {  	v58 =	vld [tilespmem:s17+$0x40]  }
0x63: {  	[tilespmem:s16+$0xD0] =	vst v9;
	v12 =	vld.idx.msk [tilespmem:v13+s10+$0x0], $0xffff  }
0x64: {  	[tilespmem:s16+$0x70] =	vst v3;
	v62 =	vld.idx.msk [tilespmem:v1+s10+$0x0], $0xffff  }
0x65: {  	[tilespmem:s16+$0xC0] =	vst v0;
	v13 =	vshll.u32 v19, $0x1;
	v5 =	vld.idx.msk [tilespmem:v5+s10+$0x0], $0xffff  }
0x66: {  	[tilespmem:s16+$0xE0] =	vst v2;
	v14 =	vshll.u32 v52, $0x1;
	v15 =	vand.u32 $0x7F, v19;
	v13 =	vand.u32 $0xFFFFFF00, v13;
	v4 =	vld.idx.msk [tilespmem:v4+s10+$0x0], $0xffff  }
0x67: {  	v14 =	vand.u32 $0xFFFFFF00, v14;
	v13 =	vor.u32 v13, v15;
	v15 =	vld.idx.msk [tilespmem:v6+s10+$0x0], $0xffff;
	v6 =	vand.u32 $0x7F, v52;
	[tilespmem:s18+$0xFFFFFF80] =	vst v11  }
0x68: {  	v0 =	vshll.u32 v20, $0x1;
	v60 =	vld [tilespmem:s17+$0x70];
	[tilespmem:s18+$0xFFFFFF00] =	vst v10;
	v57 =	vor.u32 $0x80, v13;
	v9 =	vor.u32 v14, v6  }
0x69: {  	v0 =	vand.u32 $0xFFFFFF00, v0;
	v63 =	vld [tilespmem:s17+$0x60];
	v6 =	vand.u32 $0x7F, v20;
	[tilespmem:s18+$0xFFFFFF10] =	vst v8;
	v2 =	vor.u32 $0x80, v9  }
0x6a: {  	v14 =	vld [tilespmem:s17+$0x50];
	v59 =	vor.u32 v0, v6;
	[tilespmem:s18+$0xFFFFFF90] =	vst v12  }
0x6b: {  	v0 =	vld.idx.msk [tilespmem:v7+s10+$0x0], $0xffff;
	v1 =	vshll.u32 v58, $0x1;
	v61 =	vor.u32 $0x80, v59;
	[tilespmem:s18+$0xFFFFFF30] =	vst v62  }
0x6c: {  	[tilespmem:s18+$0xFFFFFFA0] =	vst v5;
	v5 =	vand.u32 $0xFFFFFF00, v1;
	v1 =	vld.idx.msk [tilespmem:v13+s10+$0x0], $0xffff  }
0x6d: {  	[tilespmem:s18+$0xFFFFFFB0] =	vst v4;
	v3 =	vld.idx.msk [tilespmem:v57+s10+$0x0], $0xffff  }
0x6e: {  	v4 =	vand.u32 $0x7F, v58;
	[tilespmem:s18+$0xFFFFFF20] =	vst v15;
	v6 =	vld.idx.msk [tilespmem:v2+s10+$0x0], $0xffff;
	v2 =	vshll.u32 v60, $0x1  }
0x6f: {  	v10 =	vand.u32 $0x7F, v60;
	v8 =	vor.u32 v5, v4;
	v11 =	vld [tilespmem:s17+$0xFFFFFFC0];
	v2 =	vand.u32 $0xFFFFFF00, v2  }
0x70: {  	v13 =	vshll.u32 v63, $0x1;
	v4 =	vshll.u32 v14, $0x1;
	v7 =	vld.idx.msk [tilespmem:v61+s10+$0x0], $0xffff;
	v5 =	vor.u32 v2, v10  }
0x71: {  	v12 =	vand.u32 $0x7F, v14;
	v2 =	vld.idx.msk [tilespmem:v9+s10+$0x0], $0xffff;
	v9 =	vand.u32 $0xFFFFFF00, v4;
	v10 =	vor.u32 $0x80, v5  }
0x72: {  	s19 =	simm.s32 $0x2;
	s20 =	simm.s32 $0x280;
	v4 =	vld.idx.msk [tilespmem:v59+s10+$0x0], $0xffff;
	[tilespmem:s16+$0xFFFFFFC0] =	vst v56;
	v9 =	vor.u32 v9, v12;
	v12 =	vand.u32 $0xFFFFFF00, v13;
	v13 =	vand.u32 $0x7F, v63  }
.LBB2_2:
0x73: {  	v14 =	vld [tilespmem:s20+$0x0];
	v12 =	vor.u32 v12, v13;
	[tilespmem:s16+$0xFFFFFFD0] =	vst v3  }
0x74: {  	v3 =	vld [tilespmem:s20+$0x10];
	[tilespmem:s16+$0xFFFFFFE0] =	vst v6  }
0x75: {  	v6 =	vld.idx.msk [tilespmem:v8+s10+$0x0], $0xffff;
	v8 =	vor.u32 $0x80, v8;
	[tilespmem:s16+$0xFFFFFFF0] =	vst v7  }
0x76: {  	v7 =	vor.u32 $0x80, v9;
	v10 =	vld.idx.msk [tilespmem:v10+s10+$0x0], $0xffff;
	[tilespmem:s16+$0xFFFFFF40] =	vst v0  }
0x77: {  	v13 =	vor.u32 $0x80, v12;
	v0 =	vshll.u32 v11, $0x1;
	v11 =	vand.u32 $0x7F, v11;
	v9 =	vld.idx.msk [tilespmem:v9+s10+$0x0], $0xffff;
	[tilespmem:s16+$0xFFFFFF50] =	vst v1  }
0x78: {  	v0 =	vand.u32 $0xFFFFFF00, v0;
	v1 =	vld.idx.msk [tilespmem:v12+s10+$0x0], $0xffff;
	[tilespmem:s16+$0xFFFFFF60] =	vst v2  }
0x79: {  	v0 =	vor.u32 v0, v11;
	v2 =	vld.idx.msk [tilespmem:v5+s10+$0x0], $0xffff;
	[tilespmem:s16+$0xFFFFFF70] =	vst v4;
	s16 =	smov.u32 s18  }
0x7a: {  	v4 =	vor.u32 $0x80, v0;
	v5 =	vld.idx.msk [tilespmem:v8+s10+$0x0], $0xffff  }
0x7b: {  	v7 =	vld.idx.msk [tilespmem:v7+s10+$0x0], $0xffff  }
0x7c: {  	v8 =	vld.idx.msk [tilespmem:v13+s10+$0x0], $0xffff;
	[tilespmem:s18+$0xF0] =	vst v10  }
0x7d: {  	v10 =	vld [tilespmem:s20+$0x20];
	[tilespmem:s18+$0x40] =	vst v6  }
0x7e: {  	v6 =	vld [tilespmem:s20+$0xFFFFFF90];
	[tilespmem:s18+$0x50] =	vst v9  }
0x7f: {  	v9 =	vld [tilespmem:s20+$0x30];
	[tilespmem:s18+$0x60] =	vst v1  }
0x80: {  	v1 =	vld [tilespmem:s20+$0xFFFFFFA0];
	[tilespmem:s18+$0xC0] =	vst v5  }
0x81: {  	v12 =	vand.u32 $0x7F, v14;
	v11 =	vshll.u32 v14, $0x1;
	v13 =	vand.u32 $0x7F, v3;
	v5 =	vld [tilespmem:s20+$0xFFFFFFB0];
	[tilespmem:s18+$0xD0] =	vst v7  }
0x82: {  	v11 =	vand.u32 $0xFFFFFF00, v11;
	v3 =	vshll.u32 v3, $0x1;
	v7 =	vld [tilespmem:s20+$0xFFFFFF80];
	v14 =	vand.u32 $0x7F, v10;
	[tilespmem:s18+$0xE0] =	vst v8  }
0x83: {  	v3 =	vand.u32 $0xFFFFFF00, v3;
	v8 =	vor.u32 v11, v12;
	v10 =	vshll.u32 v10, $0x1;
	v11 =	vld [tilespmem:s17+$0xFFFFFFD0];
	[tilespmem:s18+$0x70] =	vst v2  }
0x84: {  	v2 =	vor.u32 v3, v13;
	v3 =	vand.u32 $0xFFFFFF00, v10;
	v10 =	vshll.u32 v9, $0x1;
	v12 =	vld [tilespmem:s17+$0xFFFFFFE0]  }
0x85: {  	s19 =	sadd.s32 $0x2, s19;
	v3 =	vor.u32 v3, v14;
	v9 =	vand.u32 $0x7F, v9;
	v10 =	vand.u32 $0xFFFFFF00, v10;
	v13 =	vld [tilespmem:s17+$0xFFFFFFF0];
	s17 =	smov.u32 s20  }
0x86: {  	p1 =	slt.u32 s19, $0x3E;
	v14 =	vshll.u32 v6, $0x1;
	v15 =	vshll.u32 v1, $0x1;
	v9 =	vor.u32 v10, v9;
	v16 =	vld.idx.msk [tilespmem:v4+s10+$0x0], $0xffff  }
0x87: {  	v17 =	vor.u32 $0x80, v8;
	v10 =	vshll.u32 v5, $0x1;
	v4 =	vshll.u32 v7, $0x1;
	v0 =	vld.idx.msk [tilespmem:v0+s10+$0x0], $0xffff  }
0x88: {  	v18 =	vor.u32 $0x80, v2;
	v14 =	vand.u32 $0xFFFFFF00, v14;
	v4 =	vand.u32 $0xFFFFFF00, v4;
	v8 =	vld.idx.msk [tilespmem:v8+s10+$0x0], $0xffff  }
0x89: {  	v19 =	vor.u32 $0x80, v3;
	v15 =	vand.u32 $0xFFFFFF00, v15;
	v10 =	vand.u32 $0xFFFFFF00, v10;
	v2 =	vld.idx.msk [tilespmem:v2+s10+$0x0], $0xffff  }
0x8a: {  	v6 =	vand.u32 $0x7F, v6;
	v7 =	vand.u32 $0x7F, v7;
	v20 =	vor.u32 $0x80, v9;
	v3 =	vld.idx.msk [tilespmem:v3+s10+$0x0], $0xffff  }
0x8b: {  	v1 =	vand.u32 $0x7F, v1;
	v5 =	vand.u32 $0x7F, v5;
	v4 =	vor.u32 v4, v7;
	v7 =	vld.idx.msk [tilespmem:v9+s10+$0x0], $0xffff  }
0x8c: {  	v6 =	vor.u32 v14, v6;
	v1 =	vor.u32 v15, v1;
	v5 =	vor.u32 v10, v5;
	v9 =	vld.idx.msk [tilespmem:v17+s10+$0x0], $0xffff  }
0x8d: {  	v14 =	vor.u32 $0x80, v6;
	v15 =	vor.u32 $0x80, v1;
	v10 =	vor.u32 $0x80, v4;
	v17 =	vld.idx.msk [tilespmem:v18+s10+$0x0], $0xffff  }
0x8e: {  	s18 =	sadd.s32 $0x200, s18;
	v21 =	vshll.u32 v11, $0x1;
	v22 =	vshll.u32 v12, $0x1;
	v18 =	vor.u32 $0x80, v5;
	v19 =	vld.idx.msk [tilespmem:v19+s10+$0x0], $0xffff  }
0x8f: {  	v20 =	vld.idx.msk [tilespmem:v20+s10+$0x0], $0xffff;
	[tilespmem:s18+$0x0] =	vst v8;
	v8 =	vand.u32 $0xFFFFFF00, v21;
	v21 =	vand.u32 $0xFFFFFF00, v22;
	v22 =	vshll.u32 v13, $0x1  }
0x90: {  	v4 =	vld.idx.msk [tilespmem:v4+s10+$0x0], $0xffff;
	[tilespmem:s18+$0x10] =	vst v2;
	v2 =	vand.u32 $0x7F, v11;
	v11 =	vand.u32 $0x7F, v12;
	v12 =	vand.u32 $0xFFFFFF00, v22  }
0x91: {  	v22 =	vld.idx.msk [tilespmem:v6+s10+$0x0], $0xffff;
	[tilespmem:s18+$0x20] =	vst v3;
	v2 =	vor.u32 v8, v2;
	v11 =	vor.u32 v21, v11;
	v3 =	vand.u32 $0x7F, v13  }
0x92: {  	v6 =	vld.idx.msk [tilespmem:v10+s10+$0x0], $0xffff;
	[tilespmem:s18+$0x30] =	vst v7;
	v7 =	vor.u32 $0x80, v2;
	v8 =	vor.u32 $0x80, v11;
	v12 =	vor.u32 v12, v3  }
0x93: {  	v3 =	vld.idx.msk [tilespmem:v14+s10+$0x0], $0xffff;
	[tilespmem:s18+$0x80] =	vst v9;
	v9 =	vor.u32 $0x80, v12  }
0x94: {  	v10 =	vld.idx.msk [tilespmem:v15+s10+$0x0], $0xffff;
	[tilespmem:s18+$0x90] =	vst v17  }
0x95: {  	v13 =	vld.idx.msk [tilespmem:v18+s10+$0x0], $0xffff;
	[tilespmem:s18+$0xA0] =	vst v19  }
0x96: {  	v14 =	vld.idx.msk [tilespmem:v1+s10+$0x0], $0xffff;
	[tilespmem:s18+$0xB0] =	vst v20  }
0x97: {  	v1 =	vld [tilespmem:s20+$0x40]  }
0x98: {  	v15 =	vld [tilespmem:s20+$0x50]  }
0x99: {  	v17 =	vld [tilespmem:s20+$0x70]  }
0x9a: {  	v18 =	vld.idx.msk [tilespmem:v5+s10+$0x0], $0xffff;
	[tilespmem:s18+$0xFFFFFF80] =	vst v6  }
0x9b: {  	[tilespmem:s18+$0xFFFFFF90] =	vst v3;
	v3 =	vld.idx.msk [tilespmem:v7+s10+$0x0], $0xffff  }
0x9c: {  	[tilespmem:s18+$0xFFFFFFA0] =	vst v10;
	v19 =	vld [tilespmem:s20+$0x60]  }
0x9d: {  	v5 =	vand.u32 $0x7F, v1;
	[tilespmem:s18+$0xFFFFFFB0] =	vst v13;
	v6 =	vld.idx.msk [tilespmem:v8+s10+$0x0], $0xffff  }
.Ltmp0:
0x9e: {  	v1 =	vshll.u32 v1, $0x1;
	v13 =	vand.u32 $0x7F, v15;
	[tilespmem:s18+$0xFFFFFF00] =	vst v4;
	v4 =	vshll.u32 v17, $0x1;
	v7 =	vld.idx.msk [tilespmem:v9+s10+$0x0], $0xffff;
	(pc) =	sbr.rel @p1 .LBB2_2-.Ltmp0, $4  }
0x9f: {  	v8 =	vand.u32 $0xFFFFFF00, v1;
	v9 =	vand.u32 $0x7F, v17;
	[tilespmem:s18+$0xFFFFFF10] =	vst v22;
	v4 =	vand.u32 $0xFFFFFF00, v4;
	v1 =	vld.idx.msk [tilespmem:v2+s10+$0x0], $0xffff  }
0xa0: {  	v10 =	vshll.u32 v15, $0x1;
	v8 =	vor.u32 v8, v5;
	[tilespmem:s18+$0xFFFFFF20] =	vst v14;
	v5 =	vor.u32 v4, v9;
	v2 =	vld.idx.msk [tilespmem:v11+s10+$0x0], $0xffff  }
0xa1: {  	v9 =	vand.u32 $0xFFFFFF00, v10;
	[tilespmem:s18+$0xFFFFFF30] =	vst v18;
	v14 =	vshll.u32 v19, $0x1;
	v10 =	vor.u32 $0x80, v5;
	v4 =	vld.idx.msk [tilespmem:v12+s10+$0x0], $0xffff  }
0xa2: {  	s20 =	sadd.s32 $0x100, s20;
	v9 =	vor.u32 v9, v13;
	v13 =	vand.u32 $0x7F, v19;
	v11 =	vld [tilespmem:s17+$0xFFFFFFC0];
	v12 =	vand.u32 $0xFFFFFF00, v14;
	[tilespmem:s16+$0xFFFFFFC0] =	vst v16  }
0xa3: {  	_ = 	snop  }
0xa4: {  	v14 =	vld [tilespmem:s17+$0xFFFFFFD0]  }
0xa5: {  	v15 =	vld [tilespmem:s17+$0xFFFFFFE0]  }
0xa6: {  	v12 =	vor.u32 v12, v13;
	v13 =	vld [tilespmem:s17+$0xFFFFFFF0]  }
0xa7: {  	v16 =	vor.u32 $0x80, v8;
	v8 =	vld.idx.msk [tilespmem:v8+s10+$0x0], $0xffff;
	v18 =	vor.u32 $0x80, v9;
	[tilespmem:s16+$0xFFFFFFD0] =	vst v3  }
0xa8: {  	v3 =	vld.idx.msk [tilespmem:v10+s10+$0x0], $0xffff;
	[tilespmem:s16+$0xFFFFFFE0] =	vst v6;
	v10 =	vor.u32 $0x80, v12;
	v17 =	vshll.u32 v11, $0x1  }
0xa9: {  	v6 =	vld.idx.msk [tilespmem:v9+s10+$0x0], $0xffff;
	[tilespmem:s16+$0xFFFFFFF0] =	vst v7;
	v11 =	vand.u32 $0x7F, v11;
	v17 =	vand.u32 $0xFFFFFF00, v17  }
0xaa: {  	[tilespmem:s16+$0xFFFFFF40] =	vst v0;
	v0 =	vld.idx.msk [tilespmem:v5+s10+$0x0], $0xffff;
	v45 =	vshll.u32 v14, $0x1;
	v19 =	vshll.u32 v15, $0x1;
	v11 =	vor.u32 v17, v11  }
0xab: {  	[tilespmem:s16+$0xFFFFFF50] =	vst v1;
	v7 =	vld.idx.msk [tilespmem:v12+s10+$0x0], $0xffff;
	v14 =	vand.u32 $0x7F, v14;
	v17 =	vand.u32 $0xFFFFFF00, v45;
	v9 =	vor.u32 $0x80, v11  }
0xac: {  	[tilespmem:s16+$0xFFFFFF60] =	vst v2;
	v5 =	vand.u32 $0x7F, v15;
	v2 =	vld.idx.msk [tilespmem:v18+s10+$0x0], $0xffff;
	v12 =	vand.u32 $0xFFFFFF00, v19;
	v14 =	vor.u32 v17, v14  }
0xad: {  	[tilespmem:s16+$0xFFFFFF70] =	vst v4;
	v4 =	vld.idx.msk [tilespmem:v10+s10+$0x0], $0xffff;
	v5 =	vor.u32 v12, v5  }
0xae: {  	v46 =	vshll.u32 v13, $0x1;
	v1 =	vld.idx.msk [tilespmem:v16+s10+$0x0], $0xffff;
	[tilespmem:s18+$0xF0] =	vst v3;
	v12 =	vand.u32 $0x7F, v13;
	v13 =	vor.u32 $0x80, v14  }
0xaf: {  	v15 =	vand.u32 $0xFFFFFF00, v46;
	[tilespmem:s18+$0x40] =	vst v8;
	v47 =	vor.u32 $0x80, v5;
	v8 =	vld.idx.msk [tilespmem:v11+s10+$0x0], $0xffff  }
0xb0: {  	[tilespmem:s18+$0x50] =	vst v6;
	v12 =	vor.u32 v15, v12;
	v3 =	vld.idx.msk [tilespmem:v9+s10+$0x0], $0xffff  }
0xb1: {  	v10 =	vor.u32 $0x80, v12;
	[tilespmem:s18+$0xD0] =	vst v2;
	v2 =	vld.idx.msk [tilespmem:v14+s10+$0x0], $0xffff  }
0xb2: {  	[tilespmem:s18+$0xE0] =	vst v4;
	v4 =	vld.idx.msk [tilespmem:v5+s10+$0x0], $0xffff  }
0xb3: {  	[tilespmem:s18+$0x70] =	vst v0;
	v6 =	vld.idx.msk [tilespmem:v13+s10+$0x0], $0xffff  }
0xb4: {  	[tilespmem:s18+$0x60] =	vst v7;
	v7 =	vld.idx.msk [tilespmem:v47+s10+$0x0], $0xffff  }
0xb5: {  	[tilespmem:s18+$0xC0] =	vst v1;
	v0 =	vld.idx.msk [tilespmem:v12+s10+$0x0], $0xffff  }
0xb6: {  	v1 =	vld.idx.msk [tilespmem:v10+s10+$0x0], $0xffff;
	[tilespmem:s18+$0xFFFFFF40] =	vst v8  }
0xb7: {  	[tilespmem:s18+$0xFFFFFFC0] =	vst v3  }
0xb8: {  	[tilespmem:s18+$0xFFFFFF50] =	vst v2  }
0xb9: {  	[tilespmem:s18+$0xFFFFFF60] =	vst v4  }
0xba: {  	[tilespmem:s18+$0xFFFFFFD0] =	vst v6  }
0xbb: {  	[tilespmem:s18+$0xFFFFFFE0] =	vst v7  }
0xbc: {  	[tilespmem:s18+$0xFFFFFF70] =	vst v0  }
0xbd: {  	s31 =	simm.s32 $0x20F0;
	[tilespmem:s18+$0xFFFFFFF0] =	vst v1  }
0xbe: {  	[hbm4b:s4+s8] =	stream.strided.scatter [tilespmem:s13], [sflag:$0x1], $0x4000, s9, s8, $0x38;
	[tilespmem:$0x10400] =	vst v63  }
0xbf: {  	v0 =	vld [tilespmem:s31+$0xFFFFFF90]  }
0xc0: {  	v1 =	vld [tilespmem:s31+$0xFFFFFFA0]  }
0xc1: {  	v2 =	vld [tilespmem:s31+$0xFFFFFFB0];
	_ =	sdelay $0x2  }
0xc2: {  	v3 =	vld [tilespmem:s31+$0xFFFFFFC0]  }
0xc3: {  	v4 =	vshll.u32 v0, $0x1;
	v0 =	vand.u32 $0x7F, v0;
	v5 =	vand.u32 $0x7F, v1  }
0xc4: {  	v1 =	vshll.u32 v1, $0x1;
	v6 =	vand.u32 $0x7F, v2;
	v4 =	vand.u32 $0xFFFFFF00, v4  }
0xc5: {  	v2 =	vshll.u32 v2, $0x1;
	v1 =	vand.u32 $0xFFFFFF00, v1;
	v0 =	vor.u32 v4, v0  }
0xc6: {  	v7 =	vld [tilespmem:s31+$0xFFFFFF10];
	v2 =	vand.u32 $0xFFFFFF00, v2;
	v1 =	vor.u32 v1, v5  }
0xc7: {  	v4 =	vld [tilespmem:s31+$0xFFFFFF20];
	v5 =	vshll.u32 v3, $0x1;
	v2 =	vor.u32 v2, v6  }
0xc8: {  	v3 =	vand.u32 $0x7F, v3;
	v6 =	vld [tilespmem:s31+$0xFFFFFF30];
	v5 =	vand.u32 $0xFFFFFF00, v5;
	v8 =	vor.u32 $0x80, v0  }
0xc9: {  	v9 =	vor.u32 $0x80, v1;
	v3 =	vor.u32 v5, v3;
	v5 =	vld [tilespmem:s31+$0xFFFFFF40]  }
0xca: {  	v10 =	vor.u32 $0x80, v2;
	v0 =	vld.idx.msk [tilespmem:v0+s10+$0x0], $0xffff  }
0xcb: {  	v12 =	vshll.u32 v7, $0x1;
	v1 =	vld.idx.msk [tilespmem:v1+s10+$0x0], $0xffff  }
0xcc: {  	v7 =	vand.u32 $0x7F, v7;
	v12 =	vand.u32 $0xFFFFFF00, v12;
	v13 =	vor.u32 $0x80, v3;
	v2 =	vld.idx.msk [tilespmem:v2+s10+$0x0], $0xffff  }
0xcd: {  	v7 =	vor.u32 v12, v7;
	v11 =	vshll.u32 v4, $0x1;
	v8 =	vld.idx.msk [tilespmem:v8+s10+$0x0], $0xffff  }
0xce: {  	v14 =	vshll.u32 v6, $0x1;
	v4 =	vand.u32 $0x7F, v4;
	v11 =	vand.u32 $0xFFFFFF00, v11;
	v9 =	vld.idx.msk [tilespmem:v9+s10+$0x0], $0xffff  }
0xcf: {  	v6 =	vand.u32 $0x7F, v6;
	v14 =	vand.u32 $0xFFFFFF00, v14;
	v10 =	vld.idx.msk [tilespmem:v10+s10+$0x0], $0xffff;
	v4 =	vor.u32 v11, v4  }
0xd0: {  	s16 =	simm.s32 $0xC1F0;
	v3 =	vld.idx.msk [tilespmem:v3+s10+$0x0], $0xffff;
	v12 =	vshll.u32 v5, $0x1;
	v6 =	vor.u32 v14, v6  }
0xd1: {  	v11 =	vand.u32 $0xFFFFFF00, v12;
	v12 =	vor.u32 $0x80, v7;
	v13 =	vld.idx.msk [tilespmem:v13+s10+$0x0], $0xffff;
	[tilespmem:s16+$0xFFFFFF10] =	vst v0  }
0xd2: {  	v5 =	vand.u32 $0x7F, v5;
	v14 =	vor.u32 $0x80, v4;
	[tilespmem:s16+$0xFFFFFF20] =	vst v1  }
0xd3: {  	v7 =	vld.idx.msk [tilespmem:v7+s10+$0x0], $0xffff;
	v5 =	vor.u32 v11, v5;
	v11 =	vor.u32 $0x80, v6;
	[tilespmem:s16+$0xFFFFFF30] =	vst v2  }
0xd4: {  	[tilespmem:s16+$0xFFFFFF90] =	vst v8;
	v1 =	vld.idx.msk [tilespmem:v4+s10+$0x0], $0xffff  }
0xd5: {  	[tilespmem:s16+$0xFFFFFFA0] =	vst v9;
	v6 =	vld.idx.msk [tilespmem:v6+s10+$0x0], $0xffff  }
0xd6: {  	[tilespmem:s16+$0xFFFFFFB0] =	vst v10;
	v2 =	vld.idx.msk [tilespmem:v12+s10+$0x0], $0xffff  }
0xd7: {  	[tilespmem:s16+$0xFFFFFF40] =	vst v3;
	v3 =	vld.idx.msk [tilespmem:v14+s10+$0x0], $0xffff  }
0xd8: {  	[tilespmem:s16+$0xFFFFFFC0] =	vst v13;
	v4 =	vld.idx.msk [tilespmem:v11+s10+$0x0], $0xffff  }
0xd9: {  	v0 =	vor.u32 $0x80, v5;
	v8 =	vld [tilespmem:s31+$0xFFFFFFD0]  }
0xda: {  	v9 =	vld [tilespmem:s31+$0xFFFFFFE0]  }
0xdb: {  	v10 =	vld [tilespmem:s31+$0x0]  }
0xdc: {  	s17 =	simm.s32 $0x21F0;
	v5 =	vld.idx.msk [tilespmem:v5+s10+$0x0], $0xffff  }
0xdd: {  	v11 =	vld [tilespmem:s17+$0xFFFFFFB0]  }
0xde: {  	v0 =	vld.idx.msk [tilespmem:v0+s10+$0x0], $0xffff;
	[tilespmem:s16+$0xFFFFFE10] =	vst v7  }
0xdf: {  	[tilespmem:s16+$0xFFFFFE90] =	vst v2  }
0xe0: {  	[tilespmem:s16+$0xFFFFFEA0] =	vst v3  }
0xe1: {  	v2 =	vld [tilespmem:s31+$0xFFFFFFF0];
	[tilespmem:s16+$0xFFFFFEB0] =	vst v4;
	v3 =	vshll.u32 v8, $0x1;
	v4 =	vand.u32 $0x7F, v9  }
0xe2: {  	v48 =	vld [tilespmem:s17+$0xFFFFFF30];
	[tilespmem:s16+$0xFFFFFE20] =	vst v1;
	v7 =	vshll.u32 v10, $0x1;
	v49 =	vand.u32 $0x7F, v11;
	v11 =	vshll.u32 v11, $0x1  }
0xe3: {  	v50 =	vld [tilespmem:s17+$0xFFFFFF40];
	[tilespmem:s16+$0xFFFFFEC0] =	vst v0;
	v0 =	vand.u32 $0x7F, v8;
	v1 =	vand.u32 $0xFFFFFF00, v3;
	v3 =	vand.u32 $0xFFFFFF00, v7  }
0xe4: {  	v12 =	vld [tilespmem:s17+$0xFFFFFFC0];
	[tilespmem:s16+$0xFFFFFE30] =	vst v6;
	v7 =	vand.u32 $0x7F, v10;
	v11 =	vand.u32 $0xFFFFFF00, v11;
	v0 =	vor.u32 v1, v0  }
0xe5: {  	v13 =	vld [tilespmem:s17+$0xFFFFFF20];
	[tilespmem:s16+$0xFFFFFE40] =	vst v5;
	v1 =	vshll.u32 v9, $0x1;
	v3 =	vor.u32 v3, v7;
	v11 =	vor.u32 v11, v49  }
0xe6: {  	v7 =	vld [tilespmem:s31+$0xFFFFFF50];
	v1 =	vand.u32 $0xFFFFFF00, v1;
	v6 =	vor.u32 $0x80, v3;
	v5 =	vshll.u32 v2, $0x1  }
0xe7: {  	v1 =	vor.u32 v1, v4;
	v2 =	vand.u32 $0x7F, v2;
	v4 =	vand.u32 $0xFFFFFF00, v5;
	v5 =	vld [tilespmem:s17+$0xFFFFFF90]  }
0xe8: {  	v2 =	vor.u32 v4, v2;
	v4 =	vld [tilespmem:s17+$0xFFFFFFA0]  }
0xe9: {  	v23 =	vor.u32 $0x80, v11;
	v8 =	vld.idx.msk [tilespmem:v0+s10+$0x0], $0xffff  }
0xea: {  	v3 =	vld.idx.msk [tilespmem:v3+s10+$0x0], $0xffff  }
0xeb: {  	v11 =	vld.idx.msk [tilespmem:v11+s10+$0x0], $0xffff  }
0xec: {  	v9 =	vor.u32 $0x80, v1;
	v0 =	vor.u32 $0x80, v0;
	v6 =	vld.idx.msk [tilespmem:v6+s10+$0x0], $0xffff  }
0xed: {  	v14 =	vshll.u32 v5, $0x1;
	v5 =	vand.u32 $0x7F, v5;
	v10 =	vld.idx.msk [tilespmem:v2+s10+$0x0], $0xffff;
	v2 =	vor.u32 $0x80, v2  }
0xee: {  	v54 =	vld.idx.msk [tilespmem:v23+s10+$0x0], $0xffff;
	v15 =	vand.u32 $0x7F, v4;
	v14 =	vand.u32 $0xFFFFFF00, v14;
	v4 =	vshll.u32 v4, $0x1  }
0xef: {  	v5 =	vor.u32 v14, v5;
	v4 =	vand.u32 $0xFFFFFF00, v4;
	v14 =	vld [tilespmem:s17+$0xFFFFFF10]  }
0xf0: {  	v1 =	vld.idx.msk [tilespmem:v1+s10+$0x0], $0xffff;
	v4 =	vor.u32 v4, v15;
	v15 =	vshll.u32 v12, $0x1  }
0xf1: {  	v9 =	vld.idx.msk [tilespmem:v9+s10+$0x0], $0xffff;
	v12 =	vand.u32 $0x7F, v12;
	v21 =	vor.u32 $0x80, v5;
	v15 =	vand.u32 $0xFFFFFF00, v15  }
0xf2: {  	v0 =	vld.idx.msk [tilespmem:v0+s10+$0x0], $0xffff;
	v12 =	vor.u32 v15, v12;
	v15 =	vshll.u32 v7, $0x1  }
0xf3: {  	v22 =	vor.u32 $0x80, v4;
	v7 =	vand.u32 $0x7F, v7;
	v2 =	vld.idx.msk [tilespmem:v2+s10+$0x0], $0xffff;
	v15 =	vand.u32 $0xFFFFFF00, v15  }
0xf4: {  	v24 =	vor.u32 $0x80, v12;
	v5 =	vld.idx.msk [tilespmem:v5+s10+$0x0], $0xffff;
	v7 =	vor.u32 v15, v7;
	v15 =	vshll.u32 v14, $0x1  }
0xf5: {  	[tilespmem:s16+$0x0] =	vst v6;
	v14 =	vand.u32 $0x7F, v14;
	v4 =	vld.idx.msk [tilespmem:v4+s10+$0x0], $0xffff;
	v15 =	vand.u32 $0xFFFFFF00, v15  }
0xf6: {  	[tilespmem:s16+$0xFFFFFF50] =	vst v8;
	v21 =	vld.idx.msk [tilespmem:v21+s10+$0x0], $0xffff;
	v14 =	vor.u32 v15, v14;
	v15 =	vshll.u32 v13, $0x1  }
0xf7: {  	[tilespmem:s16+$0xFFFFFF60] =	vst v1;
	v13 =	vand.u32 $0x7F, v13;
	v12 =	vld.idx.msk [tilespmem:v12+s10+$0x0], $0xffff;
	v15 =	vand.u32 $0xFFFFFF00, v15  }
0xf8: {  	s18 =	simm.s32 $0xC3F0;
	[tilespmem:s16+$0xFFFFFF70] =	vst v10;
	v25 =	vor.u32 $0x80, v7;
	v8 =	vor.u32 v15, v13;
	v15 =	vld.idx.msk [tilespmem:v22+s10+$0x0], $0xffff  }
0xf9: {  	v55 =	vld.idx.msk [tilespmem:v24+s10+$0x0], $0xffff;
	[tilespmem:s18+$0xFFFFFF30] =	vst v11  }
0xfa: {  	v51 =	vld [tilespmem:s31+$0xFFFFFF60];
	v53 =	vor.u32 $0x80, v14;
	[tilespmem:s18+$0xFFFFFFB0] =	vst v54  }
0xfb: {  	v52 =	vld [tilespmem:s31+$0xFFFFFF70];
	v6 =	vshll.u32 v48, $0x1;
	v13 =	vshll.u32 v50, $0x1;
	[tilespmem:s18+$0xFFFFFF10] =	vst v5  }
0xfc: {  	v20 =	vld [tilespmem:s31+$0xFFFFFF80];
	v6 =	vand.u32 $0xFFFFFF00, v6;
	v1 =	vand.u32 $0xFFFFFF00, v13;
	v13 =	vand.u32 $0x7F, v48;
	[tilespmem:s18+$0xFFFFFF20] =	vst v4  }
0xfd: {  	v10 =	vand.u32 $0x7F, v50;
	v6 =	vor.u32 v6, v13;
	v13 =	vor.u32 $0x80, v8;
	v56 =	vld.idx.msk [tilespmem:v25+s10+$0x0], $0xffff;
	[tilespmem:s18+$0xFFFFFF90] =	vst v21  }
0xfe: {  	v1 =	vor.u32 v1, v10;
	v10 =	vld.idx.msk [tilespmem:v14+s10+$0x0], $0xffff;
	[tilespmem:s18+$0xFFFFFF40] =	vst v12  }
0xff: {  	v5 =	vor.u32 $0x80, v6;
	v11 =	vld.idx.msk [tilespmem:v53+s10+$0x0], $0xffff;
	[tilespmem:s18+$0xFFFFFFA0] =	vst v15  }
0x100: {  	v4 =	vor.u32 $0x80, v1;
	v8 =	vld.idx.msk [tilespmem:v8+s10+$0x0], $0xffff;
	[tilespmem:s18+$0xFFFFFFC0] =	vst v55  }
0x101: {  	v58 =	vld [tilespmem:s17+$0xFFFFFFD0]  }
0x102: {  	[tilespmem:s16+$0xFFFFFFE0] =	vst v9;
	v12 =	vld.idx.msk [tilespmem:v13+s10+$0x0], $0xffff  }
0x103: {  	[tilespmem:s16+$0xFFFFFF80] =	vst v3;
	v62 =	vld.idx.msk [tilespmem:v1+s10+$0x0], $0xffff  }
0x104: {  	[tilespmem:s16+$0xFFFFFFD0] =	vst v0;
	v13 =	vshll.u32 v51, $0x1;
	v5 =	vld.idx.msk [tilespmem:v5+s10+$0x0], $0xffff  }
0x105: {  	[tilespmem:s16+$0xFFFFFFF0] =	vst v2;
	v14 =	vshll.u32 v52, $0x1;
	v15 =	vand.u32 $0x7F, v51;
	v13 =	vand.u32 $0xFFFFFF00, v13;
	v4 =	vld.idx.msk [tilespmem:v4+s10+$0x0], $0xffff  }
0x106: {  	v14 =	vand.u32 $0xFFFFFF00, v14;
	v13 =	vor.u32 v13, v15;
	v15 =	vld.idx.msk [tilespmem:v6+s10+$0x0], $0xffff;
	v6 =	vand.u32 $0x7F, v52;
	[tilespmem:s18+$0xFFFFFE90] =	vst v11  }
0x107: {  	v0 =	vshll.u32 v20, $0x1;
	v60 =	vld [tilespmem:s17+$0x0];
	[tilespmem:s18+$0xFFFFFE10] =	vst v10;
	v57 =	vor.u32 $0x80, v13;
	v9 =	vor.u32 v14, v6  }
0x108: {  	v0 =	vand.u32 $0xFFFFFF00, v0;
	v63 =	vld [tilespmem:s17+$0xFFFFFFF0];
	v6 =	vand.u32 $0x7F, v20;
	[tilespmem:s18+$0xFFFFFE20] =	vst v8;
	v2 =	vor.u32 $0x80, v9  }
0x109: {  	v14 =	vld [tilespmem:s17+$0xFFFFFFE0];
	v59 =	vor.u32 v0, v6;
	[tilespmem:s18+$0xFFFFFEA0] =	vst v12  }
0x10a: {  	v0 =	vld.idx.msk [tilespmem:v7+s10+$0x0], $0xffff;
	v1 =	vshll.u32 v58, $0x1;
	v61 =	vor.u32 $0x80, v59;
	[tilespmem:s18+$0xFFFFFE40] =	vst v62  }
0x10b: {  	[tilespmem:s18+$0xFFFFFEB0] =	vst v5;
	v5 =	vand.u32 $0xFFFFFF00, v1;
	v1 =	vld.idx.msk [tilespmem:v13+s10+$0x0], $0xffff  }
0x10c: {  	[tilespmem:s18+$0xFFFFFEC0] =	vst v4;
	v3 =	vld.idx.msk [tilespmem:v57+s10+$0x0], $0xffff  }
0x10d: {  	v4 =	vand.u32 $0x7F, v58;
	[tilespmem:s18+$0xFFFFFE30] =	vst v15;
	v6 =	vld.idx.msk [tilespmem:v2+s10+$0x0], $0xffff;
	v2 =	vshll.u32 v60, $0x1  }
0x10e: {  	v10 =	vand.u32 $0x7F, v60;
	v8 =	vor.u32 v5, v4;
	v11 =	vld [tilespmem:s17+$0xFFFFFF50];
	v2 =	vand.u32 $0xFFFFFF00, v2  }
0x10f: {  	v13 =	vshll.u32 v63, $0x1;
	v4 =	vshll.u32 v14, $0x1;
	v7 =	vld.idx.msk [tilespmem:v61+s10+$0x0], $0xffff;
	v5 =	vor.u32 v2, v10  }
0x110: {  	v12 =	vand.u32 $0x7F, v14;
	v2 =	vld.idx.msk [tilespmem:v9+s10+$0x0], $0xffff;
	v9 =	vand.u32 $0xFFFFFF00, v4;
	v10 =	vor.u32 $0x80, v5  }
0x111: {  	s19 =	simm.s32 $0x42;
	s20 =	simm.s32 $0x22F0;
	v4 =	vld.idx.msk [tilespmem:v59+s10+$0x0], $0xffff;
	[tilespmem:s16+$0xFFFFFED0] =	vst v56;
	v9 =	vor.u32 v9, v12;
	v12 =	vand.u32 $0xFFFFFF00, v13;
	v13 =	vand.u32 $0x7F, v63  }
.LBB2_4:
0x112: {  	v14 =	vld [tilespmem:s20+$0xFFFFFF90];
	v12 =	vor.u32 v12, v13;
	[tilespmem:s16+$0xFFFFFEE0] =	vst v3  }
0x113: {  	v3 =	vld [tilespmem:s20+$0xFFFFFFA0];
	[tilespmem:s16+$0xFFFFFEF0] =	vst v6  }
0x114: {  	v6 =	vld.idx.msk [tilespmem:v8+s10+$0x0], $0xffff;
	v8 =	vor.u32 $0x80, v8;
	[tilespmem:s16+$0xFFFFFF00] =	vst v7  }
0x115: {  	v7 =	vor.u32 $0x80, v9;
	v10 =	vld.idx.msk [tilespmem:v10+s10+$0x0], $0xffff;
	[tilespmem:s16+$0xFFFFFE50] =	vst v0  }
0x116: {  	v13 =	vor.u32 $0x80, v12;
	v0 =	vshll.u32 v11, $0x1;
	v11 =	vand.u32 $0x7F, v11;
	v9 =	vld.idx.msk [tilespmem:v9+s10+$0x0], $0xffff;
	[tilespmem:s16+$0xFFFFFE60] =	vst v1  }
0x117: {  	v0 =	vand.u32 $0xFFFFFF00, v0;
	v1 =	vld.idx.msk [tilespmem:v12+s10+$0x0], $0xffff;
	[tilespmem:s16+$0xFFFFFE70] =	vst v2  }
0x118: {  	v0 =	vor.u32 v0, v11;
	v2 =	vld.idx.msk [tilespmem:v5+s10+$0x0], $0xffff;
	[tilespmem:s16+$0xFFFFFE80] =	vst v4;
	s16 =	smov.u32 s18  }
0x119: {  	v4 =	vor.u32 $0x80, v0;
	v5 =	vld.idx.msk [tilespmem:v8+s10+$0x0], $0xffff  }
0x11a: {  	v7 =	vld.idx.msk [tilespmem:v7+s10+$0x0], $0xffff  }
0x11b: {  	v8 =	vld.idx.msk [tilespmem:v13+s10+$0x0], $0xffff;
	[tilespmem:s18+$0x0] =	vst v10  }
0x11c: {  	v10 =	vld [tilespmem:s20+$0xFFFFFFB0];
	[tilespmem:s18+$0xFFFFFF50] =	vst v6  }
0x11d: {  	v6 =	vld [tilespmem:s20+$0xFFFFFF20];
	[tilespmem:s18+$0xFFFFFF60] =	vst v9  }
0x11e: {  	v9 =	vld [tilespmem:s20+$0xFFFFFFC0];
	[tilespmem:s18+$0xFFFFFF70] =	vst v1  }
0x11f: {  	v1 =	vld [tilespmem:s20+$0xFFFFFF30];
	[tilespmem:s18+$0xFFFFFFD0] =	vst v5  }
0x120: {  	v12 =	vand.u32 $0x7F, v14;
	v11 =	vshll.u32 v14, $0x1;
	v13 =	vand.u32 $0x7F, v3;
	v5 =	vld [tilespmem:s20+$0xFFFFFF40];
	[tilespmem:s18+$0xFFFFFFE0] =	vst v7  }
0x121: {  	v11 =	vand.u32 $0xFFFFFF00, v11;
	v3 =	vshll.u32 v3, $0x1;
	v7 =	vld [tilespmem:s20+$0xFFFFFF10];
	v14 =	vand.u32 $0x7F, v10;
	[tilespmem:s18+$0xFFFFFFF0] =	vst v8  }
0x122: {  	v3 =	vand.u32 $0xFFFFFF00, v3;
	v8 =	vor.u32 v11, v12;
	v10 =	vshll.u32 v10, $0x1;
	v11 =	vld [tilespmem:s17+$0xFFFFFF60];
	[tilespmem:s18+$0xFFFFFF80] =	vst v2  }
0x123: {  	v2 =	vor.u32 v3, v13;
	v3 =	vand.u32 $0xFFFFFF00, v10;
	v10 =	vshll.u32 v9, $0x1;
	v12 =	vld [tilespmem:s17+$0xFFFFFF70]  }
0x124: {  	s19 =	sadd.s32 $0x2, s19;
	v3 =	vor.u32 v3, v14;
	v9 =	vand.u32 $0x7F, v9;
	v10 =	vand.u32 $0xFFFFFF00, v10;
	v13 =	vld [tilespmem:s17+$0xFFFFFF80];
	s17 =	smov.u32 s20  }
0x125: {  	p1 =	slt.u32 s19, $0x7E;
	v14 =	vshll.u32 v6, $0x1;
	v15 =	vshll.u32 v1, $0x1;
	v9 =	vor.u32 v10, v9;
	v16 =	vld.idx.msk [tilespmem:v4+s10+$0x0], $0xffff  }
0x126: {  	v17 =	vor.u32 $0x80, v8;
	v10 =	vshll.u32 v5, $0x1;
	v4 =	vshll.u32 v7, $0x1;
	v0 =	vld.idx.msk [tilespmem:v0+s10+$0x0], $0xffff  }
0x127: {  	v18 =	vor.u32 $0x80, v2;
	v14 =	vand.u32 $0xFFFFFF00, v14;
	v4 =	vand.u32 $0xFFFFFF00, v4;
	v8 =	vld.idx.msk [tilespmem:v8+s10+$0x0], $0xffff  }
0x128: {  	v19 =	vor.u32 $0x80, v3;
	v15 =	vand.u32 $0xFFFFFF00, v15;
	v10 =	vand.u32 $0xFFFFFF00, v10;
	v2 =	vld.idx.msk [tilespmem:v2+s10+$0x0], $0xffff  }
0x129: {  	v6 =	vand.u32 $0x7F, v6;
	v7 =	vand.u32 $0x7F, v7;
	v20 =	vor.u32 $0x80, v9;
	v3 =	vld.idx.msk [tilespmem:v3+s10+$0x0], $0xffff  }
0x12a: {  	v1 =	vand.u32 $0x7F, v1;
	v5 =	vand.u32 $0x7F, v5;
	v4 =	vor.u32 v4, v7;
	v7 =	vld.idx.msk [tilespmem:v9+s10+$0x0], $0xffff  }
0x12b: {  	v6 =	vor.u32 v14, v6;
	v1 =	vor.u32 v15, v1;
	v5 =	vor.u32 v10, v5;
	v9 =	vld.idx.msk [tilespmem:v17+s10+$0x0], $0xffff  }
0x12c: {  	v14 =	vor.u32 $0x80, v6;
	v15 =	vor.u32 $0x80, v1;
	v10 =	vor.u32 $0x80, v4;
	v17 =	vld.idx.msk [tilespmem:v18+s10+$0x0], $0xffff  }
0x12d: {  	s18 =	sadd.s32 $0x200, s18;
	v21 =	vshll.u32 v11, $0x1;
	v22 =	vshll.u32 v12, $0x1;
	v18 =	vor.u32 $0x80, v5;
	v19 =	vld.idx.msk [tilespmem:v19+s10+$0x0], $0xffff  }
0x12e: {  	v20 =	vld.idx.msk [tilespmem:v20+s10+$0x0], $0xffff;
	[tilespmem:s18+$0xFFFFFF10] =	vst v8;
	v8 =	vand.u32 $0xFFFFFF00, v21;
	v21 =	vand.u32 $0xFFFFFF00, v22;
	v22 =	vshll.u32 v13, $0x1  }
0x12f: {  	v4 =	vld.idx.msk [tilespmem:v4+s10+$0x0], $0xffff;
	[tilespmem:s18+$0xFFFFFF20] =	vst v2;
	v2 =	vand.u32 $0x7F, v11;
	v11 =	vand.u32 $0x7F, v12;
	v12 =	vand.u32 $0xFFFFFF00, v22  }
0x130: {  	v22 =	vld.idx.msk [tilespmem:v6+s10+$0x0], $0xffff;
	[tilespmem:s18+$0xFFFFFF30] =	vst v3;
	v2 =	vor.u32 v8, v2;
	v11 =	vor.u32 v21, v11;
	v3 =	vand.u32 $0x7F, v13  }
0x131: {  	v6 =	vld.idx.msk [tilespmem:v10+s10+$0x0], $0xffff;
	[tilespmem:s18+$0xFFFFFF40] =	vst v7;
	v7 =	vor.u32 $0x80, v2;
	v8 =	vor.u32 $0x80, v11;
	v12 =	vor.u32 v12, v3  }
0x132: {  	v3 =	vld.idx.msk [tilespmem:v14+s10+$0x0], $0xffff;
	[tilespmem:s18+$0xFFFFFF90] =	vst v9;
	v9 =	vor.u32 $0x80, v12  }
0x133: {  	v10 =	vld.idx.msk [tilespmem:v15+s10+$0x0], $0xffff;
	[tilespmem:s18+$0xFFFFFFA0] =	vst v17  }
0x134: {  	v13 =	vld.idx.msk [tilespmem:v18+s10+$0x0], $0xffff;
	[tilespmem:s18+$0xFFFFFFB0] =	vst v19  }
0x135: {  	v14 =	vld.idx.msk [tilespmem:v1+s10+$0x0], $0xffff;
	[tilespmem:s18+$0xFFFFFFC0] =	vst v20  }
0x136: {  	v1 =	vld [tilespmem:s20+$0xFFFFFFD0]  }
0x137: {  	v15 =	vld [tilespmem:s20+$0xFFFFFFE0]  }
0x138: {  	v17 =	vld [tilespmem:s20+$0x0]  }
0x139: {  	v18 =	vld.idx.msk [tilespmem:v5+s10+$0x0], $0xffff;
	[tilespmem:s18+$0xFFFFFE90] =	vst v6  }
0x13a: {  	[tilespmem:s18+$0xFFFFFEA0] =	vst v3;
	v3 =	vld.idx.msk [tilespmem:v7+s10+$0x0], $0xffff  }
0x13b: {  	[tilespmem:s18+$0xFFFFFEB0] =	vst v10;
	v19 =	vld [tilespmem:s20+$0xFFFFFFF0]  }
0x13c: {  	v5 =	vand.u32 $0x7F, v1;
	[tilespmem:s18+$0xFFFFFEC0] =	vst v13;
	v6 =	vld.idx.msk [tilespmem:v8+s10+$0x0], $0xffff  }
.Ltmp1:
0x13d: {  	v1 =	vshll.u32 v1, $0x1;
	v13 =	vand.u32 $0x7F, v15;
	[tilespmem:s18+$0xFFFFFE10] =	vst v4;
	v4 =	vshll.u32 v17, $0x1;
	v7 =	vld.idx.msk [tilespmem:v9+s10+$0x0], $0xffff;
	(pc) =	sbr.rel @p1 .LBB2_4-.Ltmp1, $4  }
0x13e: {  	v8 =	vand.u32 $0xFFFFFF00, v1;
	v9 =	vand.u32 $0x7F, v17;
	[tilespmem:s18+$0xFFFFFE20] =	vst v22;
	v4 =	vand.u32 $0xFFFFFF00, v4;
	v1 =	vld.idx.msk [tilespmem:v2+s10+$0x0], $0xffff  }
0x13f: {  	v10 =	vshll.u32 v15, $0x1;
	v8 =	vor.u32 v8, v5;
	[tilespmem:s18+$0xFFFFFE30] =	vst v14;
	v5 =	vor.u32 v4, v9;
	v2 =	vld.idx.msk [tilespmem:v11+s10+$0x0], $0xffff  }
0x140: {  	v9 =	vand.u32 $0xFFFFFF00, v10;
	[tilespmem:s18+$0xFFFFFE40] =	vst v18;
	v14 =	vshll.u32 v19, $0x1;
	v10 =	vor.u32 $0x80, v5;
	v4 =	vld.idx.msk [tilespmem:v12+s10+$0x0], $0xffff  }
0x141: {  	s20 =	sadd.s32 $0x100, s20;
	v9 =	vor.u32 v9, v13;
	v13 =	vand.u32 $0x7F, v19;
	v11 =	vld [tilespmem:s17+$0xFFFFFF50];
	v12 =	vand.u32 $0xFFFFFF00, v14;
	[tilespmem:s16+$0xFFFFFED0] =	vst v16  }
0x142: {  	_ = 	snop  }
0x143: {  	v14 =	vld [tilespmem:s17+$0xFFFFFF60]  }
0x144: {  	v15 =	vld [tilespmem:s17+$0xFFFFFF70]  }
0x145: {  	v12 =	vor.u32 v12, v13;
	v34 =	vld [tilespmem:s17+$0xFFFFFF80]  }
0x146: {  	v16 =	vor.u32 $0x80, v8;
	v35 =	vld.idx.msk [tilespmem:v8+s10+$0x0], $0xffff;
	[tilespmem:s16+$0xFFFFFEE0] =	vst v3  }
0x147: {  	v18 =	vor.u32 $0x80, v9;
	v37 =	vld.idx.msk [tilespmem:v10+s10+$0x0], $0xffff;
	[tilespmem:s16+$0xFFFFFEF0] =	vst v6;
	v38 =	vor.u32 $0x80, v12;
	v17 =	vshll.u32 v11, $0x1  }
0x148: {  	v40 =	vld.idx.msk [tilespmem:v9+s10+$0x0], $0xffff;
	[tilespmem:s16+$0xFFFFFF00] =	vst v7;
	v36 =	vand.u32 $0x7F, v11;
	v17 =	vand.u32 $0xFFFFFF00, v17;
	v39 =	vshll.u32 v14, $0x1  }
0x149: {  	[tilespmem:s16+$0xFFFFFE50] =	vst v0;
	v45 =	vld.idx.msk [tilespmem:v5+s10+$0x0], $0xffff;
	v14 =	vand.u32 $0x7F, v14;
	v43 =	vshll.u32 v15, $0x1;
	v11 =	vor.u32 v17, v36  }
0x14a: {  	[tilespmem:s16+$0xFFFFFE60] =	vst v1;
	v42 =	vld.idx.msk [tilespmem:v12+s10+$0x0], $0xffff;
	v44 =	vshll.u32 v34, $0x1;
	v17 =	vand.u32 $0xFFFFFF00, v39;
	v41 =	vor.u32 $0x80, v11  }
0x14b: {  	[tilespmem:s16+$0xFFFFFE70] =	vst v2;
	v47 =	vand.u32 $0x7F, v15;
	v49 =	vld.idx.msk [tilespmem:v16+s10+$0x0], $0xffff;
	v46 =	vand.u32 $0xFFFFFF00, v43;
	v14 =	vor.u32 v17, v14  }
0x14c: {  	[tilespmem:s16+$0xFFFFFE80] =	vst v4;
	v50 =	vand.u32 $0x7F, v34;
	v52 =	vld.idx.msk [tilespmem:v18+s10+$0x0], $0xffff;
	v48 =	vand.u32 $0xFFFFFF00, v44;
	v5 =	vor.u32 v46, v47  }
0x14d: {  	v54 =	vld.idx.msk [tilespmem:v38+s10+$0x0], $0xffff;
	[tilespmem:s18+$0x0] =	vst v37;
	v12 =	vor.u32 v48, v50  }
0x14e: {  	[tilespmem:s18+$0xFFFFFF50] =	vst v35;
	v51 =	vor.u32 $0x80, v14;
	v57 =	vld.idx.msk [tilespmem:v11+s10+$0x0], $0xffff  }
0x14f: {  	[tilespmem:s18+$0xFFFFFF60] =	vst v40;
	v53 =	vor.u32 $0x80, v5;
	v56 =	vld.idx.msk [tilespmem:v41+s10+$0x0], $0xffff  }
0x150: {  	[tilespmem:s18+$0xFFFFFF80] =	vst v45;
	v55 =	vor.u32 $0x80, v12;
	v61 =	vld.idx.msk [tilespmem:v14+s10+$0x0], $0xffff  }
0x151: {  	[tilespmem:s18+$0xFFFFFF70] =	vst v42;
	v62 =	vld.idx.msk [tilespmem:v5+s10+$0x0], $0xffff  }
0x152: {  	[tilespmem:s18+$0xFFFFFFD0] =	vst v49;
	v63 =	vld.idx.msk [tilespmem:v12+s10+$0x0], $0xffff  }
0x153: {  	[tilespmem:s18+$0xFFFFFFE0] =	vst v52;
	v58 =	vld.idx.msk [tilespmem:v51+s10+$0x0], $0xffff  }
0x154: {  	[tilespmem:s18+$0xFFFFFFF0] =	vst v54;
	v59 =	vld.idx.msk [tilespmem:v53+s10+$0x0], $0xffff  }
0x155: {  	v60 =	vld.idx.msk [tilespmem:v55+s10+$0x0], $0xffff;
	[tilespmem:s18+$0xFFFFFE50] =	vst v57  }
0x156: {  	[tilespmem:s18+$0xFFFFFED0] =	vst v56  }
0x157: {  	[tilespmem:s18+$0xFFFFFE60] =	vst v61  }
0x158: {  	[tilespmem:s18+$0xFFFFFE70] =	vst v62  }
0x159: {  	[tilespmem:s18+$0xFFFFFE80] =	vst v63  }
0x15a: {  	[tilespmem:s18+$0xFFFFFEE0] =	vst v58  }
0x15b: {  	[tilespmem:s18+$0xFFFFFEF0] =	vst v59  }
0x15c: {  	s15 =	sadd.s32 $0x1, s15;
	[tilespmem:s18+$0xFFFFFF00] =	vst v60  }
0x15d: {  	[hbm4b:s6+s8] =	stream.strided.scatter [tilespmem:s14], [sflag:$0x1], $0x4000, s9, s8, $0x38;
	[tilespmem:$0x10400] =	vst v63  }
0x15e: {  	p1 =	sne.s32 s15, s7;
	_ =	swait.ge [sflag:s12], $0x4000  }
.Ltmp2:
0x15f: {  	[sflag:s12] =	ssyncset.done $0x0;
	(pc) =	sbr.rel @p1 .LBB2_1-.Ltmp2, $4  }
0x160: {  	[sflag:s12] =	ssyncadd.s32 $0xFFFFC000  }
0x161: {  	_ =	swait.ge [sflag:s12], $0x4000  }
0x162: {  	[sflag:s12] =	ssyncset.done $0x0  }
0x163: {  	[sflag:s12] =	ssyncadd.s32 $0xFFFFC000  }
0x164: {  	_ =	sfence.sel $0x180000  }
0x165: {  	[bflag:$0x0] =	sbarrier.arrive $0xFFFF  }
0x166: {  	_ =	strace $0x90000047  }
0x167: {  	s0 =	sadd.s32 @!p0 $0x100000, s0;
	[bflag:$0x2] =	sbarrier.arrive $0xFFFF  }
0x168: {  	[sflag:s0] =	ssyncadd.tile.s32 @!p0 $0x1;
	_ =	shalt  }
.Lfunc_end2:
_tile_overlayer_lowered:
.L_overlay_start_2:
0x169: {  	(tag) =	ssettag $0x2  }
0x16a: {  	s0 =	rddreg [dreg:$0x0];
	s2 =	stileid.u32  }
0x16b: {  	s1 =	rddreg [dreg:$0x1];
	p0 =	sne.s32 s2, $0x0  }
0x16c: {  	s3 =	rddreg [dreg:$0x2];
	[bflag:$0x3] =	sbarrier.arrive $0xFFFF;
	s2 =	simm.s32 @!p0 $0x1C02  }
0x16d: {  	[timem:s3], [sflag:s2] =	dma.local @!p0 [hbm:s0], s1  }
0x16e: {  	s0 =	simm.s32 @!p0 $0x2  }
0x16f: {  	_ =	swait.ge @!p0 [sflag:s0], s1  }
0x170: {  	s1 =	ssub.s32 @!p0 $0x0, s1;
	[sflag:s0] =	ssyncset.done @!p0 $0x0  }
0x171: {  	[sflag:s0] =	ssyncadd.s32 @!p0 s1  }
0x172: {  	[bflag:$0x3] =	sbarrier.arrive $0xFFFF  }
0x173: {  	_ =	shalt  }

</sc_bundles>
